<compile_context>
chip_gen: v7x
topology: tpu7x:2x2x1
jax: 0.10.2.dev20260603
libtpu: 0.0.44.dev20260713+nightly
codegen_flags: <defaults>
</compile_context>

<pallas_src>
import jax
import jax.numpy as jnp
from jax import lax
from jax.experimental import pallas as pl
from jax.experimental.pallas import tpu as pltpu
from jax.experimental.pallas import tpu_sc as plsc

E = 8
D = 768
B = 8192
BM = 1024
NB = B // BM
T = NB + E - 1

_NC = 2
_NS = 16
_NW = _NC * _NS
_ROWS_PER_W = B // _NW
_CHUNK = 64
_NCHUNK = _ROWS_PER_W // _CHUNK


def _sc_gather_body(table_hbm, idx_hbm, out_hbm,
                    idx_v, rows0_v, rows1_v, sem0, sem1):
    wid = lax.axis_index("s") * _NC + lax.axis_index("c")
    base = wid * _ROWS_PER_W
    pltpu.sync_copy(idx_hbm.at[pl.ds(base, _ROWS_PER_W)], idx_v)
    rows = (rows0_v, rows1_v)
    sems = (sem0, sem1)
    copies = [
        pltpu.make_async_copy(
            table_hbm.at[idx_v.at[pl.ds(c * _CHUNK, _CHUNK)]],
            rows[c % 2], sems[c % 2])
        for c in range(_NCHUNK)
    ]
    copies[0].start()
    for c in range(_NCHUNK):
        if c + 1 < _NCHUNK:
            copies[c + 1].start()
        copies[c].wait()
        pltpu.sync_copy(rows[c % 2],
                        out_hbm.at[pl.ds(base + c * _CHUNK, _CHUNK)])


def _sc_gather(table, idx):
    ncol = table.shape[1]
    mesh = plsc.VectorSubcoreMesh(core_axis_name="c", subcore_axis_name="s")
    return pl.kernel(
        _sc_gather_body,
        out_type=jax.ShapeDtypeStruct((B, ncol), table.dtype),
        mesh=mesh,
        scratch_types=[
            pltpu.VMEM((_ROWS_PER_W,), jnp.int32),
            pltpu.VMEM((_CHUNK, ncol), table.dtype),
            pltpu.VMEM((_CHUNK, ncol), table.dtype),
            pltpu.SemaphoreType.DMA,
            pltpu.SemaphoreType.DMA,
        ],
    )(table, idx)


def _mm_body(sb_ref, se_ref, ss_ref, sn_ref, x_ref, w_ref, b_ref, o_ref):
    t = pl.program_id(0)
    blk = sb_ref[t]
    start = ss_ref[t]
    end = sn_ref[t]
    prev = jnp.where(t == 0, -1, sb_ref[jnp.maximum(t - 1, 0)])

    @pl.when(blk != prev)
    def _init():
        o_ref[...] = jnp.zeros_like(o_ref)

    row = blk * BM + lax.broadcasted_iota(jnp.int32, (BM, 1), 0)
    mask = (row >= start) & (row < end)
    y = jnp.dot(x_ref[...], w_ref[0], preferred_element_type=jnp.float32)
    y = y + b_ref[0]
    o_ref[...] += jnp.where(mask, y, 0.0)


def _ragged_mm(step_block, step_expert, step_start, step_end,
               x_sorted, expert_W, expert_b):
    grid_spec = pltpu.PrefetchScalarGridSpec(
        num_scalar_prefetch=4,
        grid=(T,),
        in_specs=[
            pl.BlockSpec((BM, D), lambda t, sb, se, ss, sn: (sb[t], 0)),
            pl.BlockSpec((1, D, D), lambda t, sb, se, ss, sn: (se[t], 0, 0)),
            pl.BlockSpec((1, 1, D), lambda t, sb, se, ss, sn: (se[t], 0, 0)),
        ],
        out_specs=pl.BlockSpec((BM, D), lambda t, sb, se, ss, sn: (sb[t], 0)),
    )
    return pl.pallas_call(
        _mm_body,
        grid_spec=grid_spec,
        out_shape=jax.ShapeDtypeStruct((B, D), jnp.float32),
    )(step_block, step_expert, step_start, step_end,
      x_sorted, expert_W, expert_b.reshape(E, 1, D))


def _ragged_metadata(counts):
    counts = counts.astype(jnp.int32)
    ends = jnp.cumsum(counts)
    starts = ends - counts
    nz = counts > 0
    first = starts // BM
    last = jnp.where(nz, (ends - 1) // BM, first - 1)
    n_e = jnp.where(nz, last - first + 1, 0)
    cum_in = jnp.cumsum(n_e)
    cum_ex = cum_in - n_e
    tr = jnp.arange(T, dtype=jnp.int32)
    e_t = jnp.searchsorted(cum_in, tr, side="right").astype(jnp.int32)
    valid = e_t < E
    e_c = jnp.minimum(e_t, E - 1)
    blk_t = first[e_c] + (tr - cum_ex[e_c])
    step_block = jnp.where(valid, blk_t, NB - 1).astype(jnp.int32)
    step_expert = jnp.where(valid, e_c, E - 1).astype(jnp.int32)
    step_start = jnp.where(valid, starts[e_c], 0).astype(jnp.int32)
    step_end = jnp.where(valid, ends[e_c], 0).astype(jnp.int32)
    return step_block, step_expert, step_start, step_end


def kernel(inputs, expert_W, expert_b, gate_W, gate_b):
    logits = inputs @ gate_W + gate_b
    p = jax.nn.softmax(logits, axis=-1)
    sample = jax.random.categorical(
        jax.random.key(42), jnp.log(p + 1e-9), axis=-1).astype(jnp.int32)

    iota = jnp.arange(B, dtype=jnp.int32)
    packed = jnp.sort((sample * B + iota).astype(jnp.uint16))
    sort_idx = (packed & (B - 1)).astype(jnp.int32)
    inv = jnp.zeros((B,), jnp.int32).at[sort_idx].set(iota)
    meta = _ragged_metadata(jnp.bincount(sample, length=E))

    x_sorted = _sc_gather(inputs, sort_idx)
    y_sorted = _ragged_mm(*meta, x_sorted, expert_W, expert_b)
    return _sc_gather(y_sorted, inv)

# --- scband reference (transcript-rebuilt; emitter-appended) ---
"""Pipeline reference for scband-moe-stochastic-model-43267500540764 (READ-ONLY COPY).

The authoritative reference and input builder live on the scoring server;
editing this copy changes nothing except your own understanding.
"""

import jax, jax.numpy as jnp
import numpy as np

E = 8
D = 768
B = 8192

def setup_inputs(seed: int = 0) -> dict:
    key = jax.random.key(seed)
    k1, k2, k3, k4 = jax.random.split(key, 4)
    inputs = jax.random.normal(k1, (B, D), dtype=jnp.float32)
    expert_W = jax.random.normal(k2, (E, D, D), dtype=jnp.float32) * (1.0 / np.sqrt(D))
    expert_b = jax.random.normal(k3, (E, D), dtype=jnp.float32) * 0.01
    gate_W = jax.random.normal(k4, (D, E), dtype=jnp.float32) * (1.0 / np.sqrt(D))
    gate_b = jnp.zeros((E,), dtype=jnp.float32)
    return {"inputs": inputs, "expert_W": expert_W, "expert_b": expert_b,
            "gate_W": gate_W, "gate_b": gate_b}

def reference(inputs, expert_W, expert_b, gate_W, gate_b):
    # Run every expert densely over the whole batch (as the torch module does).
    # x: [E, B, D]
    x = jnp.einsum('bd,edh->ebh', inputs, expert_W) + expert_b[:, None, :]
    # transpose_(0, 1) -> [B, E, D]
    x = jnp.transpose(x, (1, 0, 2))
    # gate probabilities p = softmax(Linear(inputs)) : [B, E]
    logits = inputs @ gate_W + gate_b
    p = jax.nn.softmax(logits, axis=-1)
    # torch.multinomial(p, 1) -> one sampled expert index per token
    sample = jax.random.categorical(jax.random.key(42), jnp.log(p + 1e-9), axis=-1)  # [B]
    # output = cat([x[i][sample[i]]]) : gather sampled expert's output per token
    output = jnp.take_along_axis(x, sample[:, None, None], axis=1)[:, 0, :]  # [B, D]
    return output

if __name__ == "__main__":
    import jax
    _d = setup_inputs()
    print(jax.jit(kernel)(*tuple(_d.values())))

</pallas_src>

<mosaic_0001>
#map = affine_map<(d0, d1) -> (0, 0)>
#map1 = affine_map<(d0, d1) -> (0)>
module attributes {stable_mosaic.version = 14 : i64} {
  func.func @_sc_gather_body(%arg0: i32, %arg1: i32, %arg2: memref<8192x768xf32, #tpu.memory_space<hbm>>, %arg3: memref<8192xi32, #tpu.memory_space<hbm>>, %arg4: memref<8192x768xf32, #tpu.memory_space<hbm>>, %arg5: memref<256xi32, #tpu.memory_space<vmem>>, %arg6: memref<64x768xf32, #tpu.memory_space<vmem>>, %arg7: memref<64x768xf32, #tpu.memory_space<vmem>>, %arg8: memref<!tpu.dma_semaphore, #tpu.memory_space<semaphore_mem>>, %arg9: memref<!tpu.dma_semaphore, #tpu.memory_space<semaphore_mem>>) attributes {dimension_semantics = [#tpu.dimension_semantics<core_parallel>, #tpu.dimension_semantics<subcore_parallel>], iteration_bounds = array<i64: 2, 16>, scalar_prefetch = 0 : i64, scratch_operands = 5 : i64, tpu.core_type = #tpu.core_type<sc_vector_subcore>, window_params = [{transform_indices = #map}, {transform_indices = #map1}, {transform_indices = #map}]} {
    %mul3A = arith.constant 2 : i32
    %mul3A_0 = arith.muli %arg1, %mul3A : i32
    %add3A = arith.addi %mul3A_0, %arg0 : i32
    %mul3A_1 = arith.constant 256 : i32
    %mul3A_2 = arith.muli %add3A, %mul3A_1 : i32
    "tpu.region"() ({
      %run_scoped3A = tpu.sem_alloc : memref<!tpu.dma_semaphore, #tpu.memory_space<semaphore_mem>>
      %dma_start3A_49 = tpu.memref_slice %arg3[%mul3A_2] : memref<8192xi32, #tpu.memory_space<hbm>> -> memref<256xi32, #tpu.memory_space<hbm>>
      %dma_start3A_50 = tpu.memref_slice %arg3[%mul3A_2] : memref<8192xi32, #tpu.memory_space<hbm>> -> memref<256xi32, #tpu.memory_space<hbm>>
      tpu.enqueue_dma source(%dma_start3A_50 : memref<256xi32, #tpu.memory_space<hbm>>) target(%arg5 : memref<256xi32, #tpu.memory_space<vmem>>) target_semaphore(%run_scoped3A : memref<!tpu.dma_semaphore, #tpu.memory_space<semaphore_mem>>)
      %dma_wait3A_51 = tpu.memref_slice %arg3[%mul3A_2] : memref<8192xi32, #tpu.memory_space<hbm>> -> memref<256xi32, #tpu.memory_space<hbm>>
      %dma_wait3A_52 = tpu.memref_slice %arg3[%mul3A_2] : memref<8192xi32, #tpu.memory_space<hbm>> -> memref<256xi32, #tpu.memory_space<hbm>>
      tpu.wait_dma2 semaphore(%run_scoped3A : memref<!tpu.dma_semaphore, #tpu.memory_space<semaphore_mem>>) src(%dma_wait3A_52 : memref<256xi32, #tpu.memory_space<hbm>>) dst(%arg5 : memref<256xi32, #tpu.memory_space<vmem>>)
      tpu.yield
    }) : () -> ()
    %dma_start3A = arith.constant 0 : i32
    %dma_start3A_3 = tpu.memref_slice %arg5[%dma_start3A] : memref<256xi32, #tpu.memory_space<vmem>> -> memref<64xi32, #tpu.memory_space<vmem>>
    %dma_start3A_4 = arith.constant 0 : i32
    %dma_start3A_5 = arith.constant 0 : i32
    %dma_start3A_6 = tpu.memref_slice %arg2[%dma_start3A_4, %dma_start3A_5] : memref<8192x768xf32, #tpu.memory_space<hbm>> -> memref<8192x768xf32, #tpu.memory_space<hbm>>
    tpu.enqueue_indirect_dma source(%dma_start3A_6 : memref<8192x768xf32, #tpu.memory_space<hbm>>) target(%arg6 : memref<64x768xf32, #tpu.memory_space<vmem>>) offsets(%dma_start3A_3 : memref<64xi32, #tpu.memory_space<vmem>>) semaphore(%arg8 : memref<!tpu.dma_semaphore, #tpu.memory_space<semaphore_mem>>)
    %dma_start3A_7 = arith.constant 64 : i32
    %dma_start3A_8 = tpu.memref_slice %arg5[%dma_start3A_7] : memref<256xi32, #tpu.memory_space<vmem>> -> memref<64xi32, #tpu.memory_space<vmem>>
    %dma_start3A_9 = arith.constant 0 : i32
    %dma_start3A_10 = arith.constant 0 : i32
    %dma_start3A_11 = tpu.memref_slice %arg2[%dma_start3A_9, %dma_start3A_10] : memref<8192x768xf32, #tpu.memory_space<hbm>> -> memref<8192x768xf32, #tpu.memory_space<hbm>>
    tpu.enqueue_indirect_dma source(%dma_start3A_11 : memref<8192x768xf32, #tpu.memory_space<hbm>>) target(%arg7 : memref<64x768xf32, #tpu.memory_space<vmem>>) offsets(%dma_start3A_8 : memref<64xi32, #tpu.memory_space<vmem>>) semaphore(%arg9 : memref<!tpu.dma_semaphore, #tpu.memory_space<semaphore_mem>>)
    %dma_wait3A = arith.constant 0 : i32
    %dma_wait3A_12 = tpu.memref_slice %arg5[%dma_wait3A] : memref<256xi32, #tpu.memory_space<vmem>> -> memref<64xi32, #tpu.memory_space<vmem>>
    %dma_wait3A_13 = arith.constant 0 : i32
    %dma_wait3A_14 = arith.constant 0 : i32
    %dma_wait3A_15 = tpu.memref_slice %arg2[%dma_wait3A_13, %dma_wait3A_14] : memref<8192x768xf32, #tpu.memory_space<hbm>> -> memref<8192x768xf32, #tpu.memory_space<hbm>>
    tpu.wait_indirect_dma semaphore(%arg8 : memref<!tpu.dma_semaphore, #tpu.memory_space<semaphore_mem>>) src(%dma_wait3A_15 : memref<8192x768xf32, #tpu.memory_space<hbm>>) dst(%arg6 : memref<64x768xf32, #tpu.memory_space<vmem>>)
    %add3A_16 = arith.constant 0 : i32
    %add3A_17 = arith.addi %mul3A_2, %add3A_16 : i32
    "tpu.region"() ({
      %run_scoped3A = tpu.sem_alloc : memref<!tpu.dma_semaphore, #tpu.memory_space<semaphore_mem>>
      %dma_start3A_49 = arith.constant 0 : i32
      %dma_start3A_50 = tpu.memref_slice %arg4[%add3A_17, %dma_start3A_49] : memref<8192x768xf32, #tpu.memory_space<hbm>> -> memref<64x768xf32, #tpu.memory_space<hbm>>
      %dma_start3A_51 = arith.constant 0 : i32
      %dma_start3A_52 = tpu.memref_slice %arg4[%add3A_17, %dma_start3A_51] : memref<8192x768xf32, #tpu.memory_space<hbm>> -> memref<64x768xf32, #tpu.memory_space<hbm>>
      tpu.enqueue_dma source(%arg6 : memref<64x768xf32, #tpu.memory_space<vmem>>) target(%dma_start3A_52 : memref<64x768xf32, #tpu.memory_space<hbm>>) target_semaphore(%run_scoped3A : memref<!tpu.dma_semaphore, #tpu.memory_space<semaphore_mem>>)
      %dma_wait3A_53 = arith.constant 0 : i32
      %dma_wait3A_54 = tpu.memref_slice %arg4[%add3A_17, %dma_wait3A_53] : memref<8192x768xf32, #tpu.memory_space<hbm>> -> memref<64x768xf32, #tpu.memory_space<hbm>>
      %dma_wait3A_55 = arith.constant 0 : i32
      %dma_wait3A_56 = tpu.memref_slice %arg4[%add3A_17, %dma_wait3A_55] : memref<8192x768xf32, #tpu.memory_space<hbm>> -> memref<64x768xf32, #tpu.memory_space<hbm>>
      tpu.wait_dma2 semaphore(%run_scoped3A : memref<!tpu.dma_semaphore, #tpu.memory_space<semaphore_mem>>) src(%arg6 : memref<64x768xf32, #tpu.memory_space<vmem>>) dst(%dma_wait3A_56 : memref<64x768xf32, #tpu.memory_space<hbm>>)
      tpu.yield
    }) : () -> ()
    %dma_start3A_18 = arith.constant 128 : i32
    %dma_start3A_19 = tpu.memref_slice %arg5[%dma_start3A_18] : memref<256xi32, #tpu.memory_space<vmem>> -> memref<64xi32, #tpu.memory_space<vmem>>
    %dma_start3A_20 = arith.constant 0 : i32
    %dma_start3A_21 = arith.constant 0 : i32
    %dma_start3A_22 = tpu.memref_slice %arg2[%dma_start3A_20, %dma_start3A_21] : memref<8192x768xf32, #tpu.memory_space<hbm>> -> memref<8192x768xf32, #tpu.memory_space<hbm>>
    tpu.enqueue_indirect_dma source(%dma_start3A_22 : memref<8192x768xf32, #tpu.memory_space<hbm>>) target(%arg6 : memref<64x768xf32, #tpu.memory_space<vmem>>) offsets(%dma_start3A_19 : memref<64xi32, #tpu.memory_space<vmem>>) semaphore(%arg8 : memref<!tpu.dma_semaphore, #tpu.memory_space<semaphore_mem>>)
    %dma_wait3A_23 = arith.constant 64 : i32
    %dma_wait3A_24 = tpu.memref_slice %arg5[%dma_wait3A_23] : memref<256xi32, #tpu.memory_space<vmem>> -> memref<64xi32, #tpu.memory_space<vmem>>
    %dma_wait3A_25 = arith.constant 0 : i32
    %dma_wait3A_26 = arith.constant 0 : i32
    %dma_wait3A_27 = tpu.memref_slice %arg2[%dma_wait3A_25, %dma_wait3A_26] : memref<8192x768xf32, #tpu.memory_space<hbm>> -> memref<8192x768xf32, #tpu.memory_space<hbm>>
    tpu.wait_indirect_dma semaphore(%arg9 : memref<!tpu.dma_semaphore, #tpu.memory_space<semaphore_mem>>) src(%dma_wait3A_27 : memref<8192x768xf32, #tpu.memory_space<hbm>>) dst(%arg7 : memref<64x768xf32, #tpu.memory_space<vmem>>)
    %add3A_28 = arith.constant 64 : i32
    %add3A_29 = arith.addi %mul3A_2, %add3A_28 : i32
    "tpu.region"() ({
      %run_scoped3A = tpu.sem_alloc : memref<!tpu.dma_semaphore, #tpu.memory_space<semaphore_mem>>
      %dma_start3A_49 = arith.constant 0 : i32
      %dma_start3A_50 = tpu.memref_slice %arg4[%add3A_29, %dma_start3A_49] : memref<8192x768xf32, #tpu.memory_space<hbm>> -> memref<64x768xf32, #tpu.memory_space<hbm>>
      %dma_start3A_51 = arith.constant 0 : i32
      %dma_start3A_52 = tpu.memref_slice %arg4[%add3A_29, %dma_start3A_51] : memref<8192x768xf32, #tpu.memory_space<hbm>> -> memref<64x768xf32, #tpu.memory_space<hbm>>
      tpu.enqueue_dma source(%arg7 : memref<64x768xf32, #tpu.memory_space<vmem>>) target(%dma_start3A_52 : memref<64x768xf32, #tpu.memory_space<hbm>>) target_semaphore(%run_scoped3A : memref<!tpu.dma_semaphore, #tpu.memory_space<semaphore_mem>>)
      %dma_wait3A_53 = arith.constant 0 : i32
      %dma_wait3A_54 = tpu.memref_slice %arg4[%add3A_29, %dma_wait3A_53] : memref<8192x768xf32, #tpu.memory_space<hbm>> -> memref<64x768xf32, #tpu.memory_space<hbm>>
      %dma_wait3A_55 = arith.constant 0 : i32
      %dma_wait3A_56 = tpu.memref_slice %arg4[%add3A_29, %dma_wait3A_55] : memref<8192x768xf32, #tpu.memory_space<hbm>> -> memref<64x768xf32, #tpu.memory_space<hbm>>
      tpu.wait_dma2 semaphore(%run_scoped3A : memref<!tpu.dma_semaphore, #tpu.memory_space<semaphore_mem>>) src(%arg7 : memref<64x768xf32, #tpu.memory_space<vmem>>) dst(%dma_wait3A_56 : memref<64x768xf32, #tpu.memory_space<hbm>>)
      tpu.yield
    }) : () -> ()
    %dma_start3A_30 = arith.constant 192 : i32
    %dma_start3A_31 = tpu.memref_slice %arg5[%dma_start3A_30] : memref<256xi32, #tpu.memory_space<vmem>> -> memref<64xi32, #tpu.memory_space<vmem>>
    %dma_start3A_32 = arith.constant 0 : i32
    %dma_start3A_33 = arith.constant 0 : i32
    %dma_start3A_34 = tpu.memref_slice %arg2[%dma_start3A_32, %dma_start3A_33] : memref<8192x768xf32, #tpu.memory_space<hbm>> -> memref<8192x768xf32, #tpu.memory_space<hbm>>
    tpu.enqueue_indirect_dma source(%dma_start3A_34 : memref<8192x768xf32, #tpu.memory_space<hbm>>) target(%arg7 : memref<64x768xf32, #tpu.memory_space<vmem>>) offsets(%dma_start3A_31 : memref<64xi32, #tpu.memory_space<vmem>>) semaphore(%arg9 : memref<!tpu.dma_semaphore, #tpu.memory_space<semaphore_mem>>)
    %dma_wait3A_35 = arith.constant 128 : i32
    %dma_wait3A_36 = tpu.memref_slice %arg5[%dma_wait3A_35] : memref<256xi32, #tpu.memory_space<vmem>> -> memref<64xi32, #tpu.memory_space<vmem>>
    %dma_wait3A_37 = arith.constant 0 : i32
    %dma_wait3A_38 = arith.constant 0 : i32
    %dma_wait3A_39 = tpu.memref_slice %arg2[%dma_wait3A_37, %dma_wait3A_38] : memref<8192x768xf32, #tpu.memory_space<hbm>> -> memref<8192x768xf32, #tpu.memory_space<hbm>>
    tpu.wait_indirect_dma semaphore(%arg8 : memref<!tpu.dma_semaphore, #tpu.memory_space<semaphore_mem>>) src(%dma_wait3A_39 : memref<8192x768xf32, #tpu.memory_space<hbm>>) dst(%arg6 : memref<64x768xf32, #tpu.memory_space<vmem>>)
    %add3A_40 = arith.constant 128 : i32
    %add3A_41 = arith.addi %mul3A_2, %add3A_40 : i32
    "tpu.region"() ({
      %run_scoped3A = tpu.sem_alloc : memref<!tpu.dma_semaphore, #tpu.memory_space<semaphore_mem>>
      %dma_start3A_49 = arith.constant 0 : i32
      %dma_start3A_50 = tpu.memref_slice %arg4[%add3A_41, %dma_start3A_49] : memref<8192x768xf32, #tpu.memory_space<hbm>> -> memref<64x768xf32, #tpu.memory_space<hbm>>
      %dma_start3A_51 = arith.constant 0 : i32
      %dma_start3A_52 = tpu.memref_slice %arg4[%add3A_41, %dma_start3A_51] : memref<8192x768xf32, #tpu.memory_space<hbm>> -> memref<64x768xf32, #tpu.memory_space<hbm>>
      tpu.enqueue_dma source(%arg6 : memref<64x768xf32, #tpu.memory_space<vmem>>) target(%dma_start3A_52 : memref<64x768xf32, #tpu.memory_space<hbm>>) target_semaphore(%run_scoped3A : memref<!tpu.dma_semaphore, #tpu.memory_space<semaphore_mem>>)
      %dma_wait3A_53 = arith.constant 0 : i32
      %dma_wait3A_54 = tpu.memref_slice %arg4[%add3A_41, %dma_wait3A_53] : memref<8192x768xf32, #tpu.memory_space<hbm>> -> memref<64x768xf32, #tpu.memory_space<hbm>>
      %dma_wait3A_55 = arith.constant 0 : i32
      %dma_wait3A_56 = tpu.memref_slice %arg4[%add3A_41, %dma_wait3A_55] : memref<8192x768xf32, #tpu.memory_space<hbm>> -> memref<64x768xf32, #tpu.memory_space<hbm>>
      tpu.wait_dma2 semaphore(%run_scoped3A : memref<!tpu.dma_semaphore, #tpu.memory_space<semaphore_mem>>) src(%arg6 : memref<64x768xf32, #tpu.memory_space<vmem>>) dst(%dma_wait3A_56 : memref<64x768xf32, #tpu.memory_space<hbm>>)
      tpu.yield
    }) : () -> ()
    %dma_wait3A_42 = arith.constant 192 : i32
    %dma_wait3A_43 = tpu.memref_slice %arg5[%dma_wait3A_42] : memref<256xi32, #tpu.memory_space<vmem>> -> memref<64xi32, #tpu.memory_space<vmem>>
    %dma_wait3A_44 = arith.constant 0 : i32
    %dma_wait3A_45 = arith.constant 0 : i32
    %dma_wait3A_46 = tpu.memref_slice %arg2[%dma_wait3A_44, %dma_wait3A_45] : memref<8192x768xf32, #tpu.memory_space<hbm>> -> memref<8192x768xf32, #tpu.memory_space<hbm>>
    tpu.wait_indirect_dma semaphore(%arg9 : memref<!tpu.dma_semaphore, #tpu.memory_space<semaphore_mem>>) src(%dma_wait3A_46 : memref<8192x768xf32, #tpu.memory_space<hbm>>) dst(%arg7 : memref<64x768xf32, #tpu.memory_space<vmem>>)
    %add3A_47 = arith.constant 192 : i32
    %add3A_48 = arith.addi %mul3A_2, %add3A_47 : i32
    "tpu.region"() ({
      %run_scoped3A = tpu.sem_alloc : memref<!tpu.dma_semaphore, #tpu.memory_space<semaphore_mem>>
      %dma_start3A_49 = arith.constant 0 : i32
      %dma_start3A_50 = tpu.memref_slice %arg4[%add3A_48, %dma_start3A_49] : memref<8192x768xf32, #tpu.memory_space<hbm>> -> memref<64x768xf32, #tpu.memory_space<hbm>>
      %dma_start3A_51 = arith.constant 0 : i32
      %dma_start3A_52 = tpu.memref_slice %arg4[%add3A_48, %dma_start3A_51] : memref<8192x768xf32, #tpu.memory_space<hbm>> -> memref<64x768xf32, #tpu.memory_space<hbm>>
      tpu.enqueue_dma source(%arg7 : memref<64x768xf32, #tpu.memory_space<vmem>>) target(%dma_start3A_52 : memref<64x768xf32, #tpu.memory_space<hbm>>) target_semaphore(%run_scoped3A : memref<!tpu.dma_semaphore, #tpu.memory_space<semaphore_mem>>)
      %dma_wait3A_53 = arith.constant 0 : i32
      %dma_wait3A_54 = tpu.memref_slice %arg4[%add3A_48, %dma_wait3A_53] : memref<8192x768xf32, #tpu.memory_space<hbm>> -> memref<64x768xf32, #tpu.memory_space<hbm>>
      %dma_wait3A_55 = arith.constant 0 : i32
      %dma_wait3A_56 = tpu.memref_slice %arg4[%add3A_48, %dma_wait3A_55] : memref<8192x768xf32, #tpu.memory_space<hbm>> -> memref<64x768xf32, #tpu.memory_space<hbm>>
      tpu.wait_dma2 semaphore(%run_scoped3A : memref<!tpu.dma_semaphore, #tpu.memory_space<semaphore_mem>>) src(%arg7 : memref<64x768xf32, #tpu.memory_space<vmem>>) dst(%dma_wait3A_56 : memref<64x768xf32, #tpu.memory_space<hbm>>)
      tpu.yield
    }) : () -> ()
    return
  }
}

#map = affine_map<(d0, d1) -> (0, 0)>
#map1 = affine_map<(d0, d1) -> (0)>
module attributes {stable_mosaic.version = 14 : i64} {
  func.func @_sc_gather_body(%arg0: i32, %arg1: i32, %arg2: memref<8192x768xf32, #tpu.memory_space<hbm>>, %arg3: memref<8192xi32, #tpu.memory_space<hbm>>, %arg4: memref<8192x768xf32, #tpu.memory_space<hbm>>, %arg5: memref<256xi32, #tpu.memory_space<vmem>>, %arg6: memref<64x768xf32, #tpu.memory_space<vmem>>, %arg7: memref<64x768xf32, #tpu.memory_space<vmem>>, %arg8: memref<!tpu.dma_semaphore, #tpu.memory_space<semaphore_mem>>, %arg9: memref<!tpu.dma_semaphore, #tpu.memory_space<semaphore_mem>>) attributes {dimension_semantics = [#tpu.dimension_semantics<core_parallel>, #tpu.dimension_semantics<subcore_parallel>], iteration_bounds = array<i64: 2, 16>, scalar_prefetch = 0 : i64, scratch_operands = 5 : i64, tpu.core_type = #tpu.core_type<sc_vector_subcore>, window_params = [{transform_indices = #map}, {transform_indices = #map1}, {transform_indices = #map}]} {
    %mul3A = arith.constant 2 : i32
    %mul3A_0 = arith.muli %arg1, %mul3A : i32
    %add3A = arith.addi %mul3A_0, %arg0 : i32
    %mul3A_1 = arith.constant 256 : i32
    %mul3A_2 = arith.muli %add3A, %mul3A_1 : i32
    "tpu.region"() ({
      %run_scoped3A = tpu.sem_alloc : memref<!tpu.dma_semaphore, #tpu.memory_space<semaphore_mem>>
      %dma_start3A_49 = tpu.memref_slice %arg3[%mul3A_2] : memref<8192xi32, #tpu.memory_space<hbm>> -> memref<256xi32, #tpu.memory_space<hbm>>
      %dma_start3A_50 = tpu.memref_slice %arg3[%mul3A_2] : memref<8192xi32, #tpu.memory_space<hbm>> -> memref<256xi32, #tpu.memory_space<hbm>>
      tpu.enqueue_dma source(%dma_start3A_50 : memref<256xi32, #tpu.memory_space<hbm>>) target(%arg5 : memref<256xi32, #tpu.memory_space<vmem>>) target_semaphore(%run_scoped3A : memref<!tpu.dma_semaphore, #tpu.memory_space<semaphore_mem>>)
      %dma_wait3A_51 = tpu.memref_slice %arg3[%mul3A_2] : memref<8192xi32, #tpu.memory_space<hbm>> -> memref<256xi32, #tpu.memory_space<hbm>>
      %dma_wait3A_52 = tpu.memref_slice %arg3[%mul3A_2] : memref<8192xi32, #tpu.memory_space<hbm>> -> memref<256xi32, #tpu.memory_space<hbm>>
      tpu.wait_dma2 semaphore(%run_scoped3A : memref<!tpu.dma_semaphore, #tpu.memory_space<semaphore_mem>>) src(%dma_wait3A_52 : memref<256xi32, #tpu.memory_space<hbm>>) dst(%arg5 : memref<256xi32, #tpu.memory_space<vmem>>)
      tpu.yield
    }) : () -> ()
    %dma_start3A = arith.constant 0 : i32
    %dma_start3A_3 = tpu.memref_slice %arg5[%dma_start3A] : memref<256xi32, #tpu.memory_space<vmem>> -> memref<64xi32, #tpu.memory_space<vmem>>
    %dma_start3A_4 = arith.constant 0 : i32
    %dma_start3A_5 = arith.constant 0 : i32
    %dma_start3A_6 = tpu.memref_slice %arg2[%dma_start3A_4, %dma_start3A_5] : memref<8192x768xf32, #tpu.memory_space<hbm>> -> memref<8192x768xf32, #tpu.memory_space<hbm>>
    tpu.enqueue_indirect_dma source(%dma_start3A_6 : memref<8192x768xf32, #tpu.memory_space<hbm>>) target(%arg6 : memref<64x768xf32, #tpu.memory_space<vmem>>) offsets(%dma_start3A_3 : memref<64xi32, #tpu.memory_space<vmem>>) semaphore(%arg8 : memref<!tpu.dma_semaphore, #tpu.memory_space<semaphore_mem>>)
    %dma_start3A_7 = arith.constant 64 : i32
    %dma_start3A_8 = tpu.memref_slice %arg5[%dma_start3A_7] : memref<256xi32, #tpu.memory_space<vmem>> -> memref<64xi32, #tpu.memory_space<vmem>>
    %dma_start3A_9 = arith.constant 0 : i32
    %dma_start3A_10 = arith.constant 0 : i32
    %dma_start3A_11 = tpu.memref_slice %arg2[%dma_start3A_9, %dma_start3A_10] : memref<8192x768xf32, #tpu.memory_space<hbm>> -> memref<8192x768xf32, #tpu.memory_space<hbm>>
    tpu.enqueue_indirect_dma source(%dma_start3A_11 : memref<8192x768xf32, #tpu.memory_space<hbm>>) target(%arg7 : memref<64x768xf32, #tpu.memory_space<vmem>>) offsets(%dma_start3A_8 : memref<64xi32, #tpu.memory_space<vmem>>) semaphore(%arg9 : memref<!tpu.dma_semaphore, #tpu.memory_space<semaphore_mem>>)
    %dma_wait3A = arith.constant 0 : i32
    %dma_wait3A_12 = tpu.memref_slice %arg5[%dma_wait3A] : memref<256xi32, #tpu.memory_space<vmem>> -> memref<64xi32, #tpu.memory_space<vmem>>
    %dma_wait3A_13 = arith.constant 0 : i32
    %dma_wait3A_14 = arith.constant 0 : i32
    %dma_wait3A_15 = tpu.memref_slice %arg2[%dma_wait3A_13, %dma_wait3A_14] : memref<8192x768xf32, #tpu.memory_space<hbm>> -> memref<8192x768xf32, #tpu.memory_space<hbm>>
    tpu.wait_indirect_dma semaphore(%arg8 : memref<!tpu.dma_semaphore, #tpu.memory_space<semaphore_mem>>) src(%dma_wait3A_15 : memref<8192x768xf32, #tpu.memory_space<hbm>>) dst(%arg6 : memref<64x768xf32, #tpu.memory_space<vmem>>)
    %add3A_16 = arith.constant 0 : i32
    %add3A_17 = arith.addi %mul3A_2, %add3A_16 : i32
    "tpu.region"() ({
      %run_scoped3A = tpu.sem_alloc : memref<!tpu.dma_semaphore, #tpu.memory_space<semaphore_mem>>
      %dma_start3A_49 = arith.constant 0 : i32
      %dma_start3A_50 = tpu.memref_slice %arg4[%add3A_17, %dma_start3A_49] : memref<8192x768xf32, #tpu.memory_space<hbm>> -> memref<64x768xf32, #tpu.memory_space<hbm>>
      %dma_start3A_51 = arith.constant 0 : i32
      %dma_start3A_52 = tpu.memref_slice %arg4[%add3A_17, %dma_start3A_51] : memref<8192x768xf32, #tpu.memory_space<hbm>> -> memref<64x768xf32, #tpu.memory_space<hbm>>
      tpu.enqueue_dma source(%arg6 : memref<64x768xf32, #tpu.memory_space<vmem>>) target(%dma_start3A_52 : memref<64x768xf32, #tpu.memory_space<hbm>>) target_semaphore(%run_scoped3A : memref<!tpu.dma_semaphore, #tpu.memory_space<semaphore_mem>>)
      %dma_wait3A_53 = arith.constant 0 : i32
      %dma_wait3A_54 = tpu.memref_slice %arg4[%add3A_17, %dma_wait3A_53] : memref<8192x768xf32, #tpu.memory_space<hbm>> -> memref<64x768xf32, #tpu.memory_space<hbm>>
      %dma_wait3A_55 = arith.constant 0 : i32
      %dma_wait3A_56 = tpu.memref_slice %arg4[%add3A_17, %dma_wait3A_55] : memref<8192x768xf32, #tpu.memory_space<hbm>> -> memref<64x768xf32, #tpu.memory_space<hbm>>
      tpu.wait_dma2 semaphore(%run_scoped3A : memref<!tpu.dma_semaphore, #tpu.memory_space<semaphore_mem>>) src(%arg6 : memref<64x768xf32, #tpu.memory_space<vmem>>) dst(%dma_wait3A_56 : memref<64x768xf32, #tpu.memory_space<hbm>>)
      tpu.yield
    }) : () -> ()
    %dma_start3A_18 = arith.constant 128 : i32
    %dma_start3A_19 = tpu.memref_slice %arg5[%dma_start3A_18] : memref<256xi32, #tpu.memory_space<vmem>> -> memref<64xi32, #tpu.memory_space<vmem>>
    %dma_start3A_20 = arith.constant 0 : i32
    %dma_start3A_21 = arith.constant 0 : i32
    %dma_start3A_22 = tpu.memref_slice %arg2[%dma_start3A_20, %dma_start3A_21] : memref<8192x768xf32, #tpu.memory_space<hbm>> -> memref<8192x768xf32, #tpu.memory_space<hbm>>
    tpu.enqueue_indirect_dma source(%dma_start3A_22 : memref<8192x768xf32, #tpu.memory_space<hbm>>) target(%arg6 : memref<64x768xf32, #tpu.memory_space<vmem>>) offsets(%dma_start3A_19 : memref<64xi32, #tpu.memory_space<vmem>>) semaphore(%arg8 : memref<!tpu.dma_semaphore, #tpu.memory_space<semaphore_mem>>)
    %dma_wait3A_23 = arith.constant 64 : i32
    %dma_wait3A_24 = tpu.memref_slice %arg5[%dma_wait3A_23] : memref<256xi32, #tpu.memory_space<vmem>> -> memref<64xi32, #tpu.memory_space<vmem>>
    %dma_wait3A_25 = arith.constant 0 : i32
    %dma_wait3A_26 = arith.constant 0 : i32
    %dma_wait3A_27 = tpu.memref_slice %arg2[%dma_wait3A_25, %dma_wait3A_26] : memref<8192x768xf32, #tpu.memory_space<hbm>> -> memref<8192x768xf32, #tpu.memory_space<hbm>>
    tpu.wait_indirect_dma semaphore(%arg9 : memref<!tpu.dma_semaphore, #tpu.memory_space<semaphore_mem>>) src(%dma_wait3A_27 : memref<8192x768xf32, #tpu.memory_space<hbm>>) dst(%arg7 : memref<64x768xf32, #tpu.memory_space<vmem>>)
    %add3A_28 = arith.constant 64 : i32
    %add3A_29 = arith.addi %mul3A_2, %add3A_28 : i32
    "tpu.region"() ({
      %run_scoped3A = tpu.sem_alloc : memref<!tpu.dma_semaphore, #tpu.memory_space<semaphore_mem>>
      %dma_start3A_49 = arith.constant 0 : i32
      %dma_start3A_50 = tpu.memref_slice %arg4[%add3A_29, %dma_start3A_49] : memref<8192x768xf32, #tpu.memory_space<hbm>> -> memref<64x768xf32, #tpu.memory_space<hbm>>
      %dma_start3A_51 = arith.constant 0 : i32
      %dma_start3A_52 = tpu.memref_slice %arg4[%add3A_29, %dma_start3A_51] : memref<8192x768xf32, #tpu.memory_space<hbm>> -> memref<64x768xf32, #tpu.memory_space<hbm>>
      tpu.enqueue_dma source(%arg7 : memref<64x768xf32, #tpu.memory_space<vmem>>) target(%dma_start3A_52 : memref<64x768xf32, #tpu.memory_space<hbm>>) target_semaphore(%run_scoped3A : memref<!tpu.dma_semaphore, #tpu.memory_space<semaphore_mem>>)
      %dma_wait3A_53 = arith.constant 0 : i32
      %dma_wait3A_54 = tpu.memref_slice %arg4[%add3A_29, %dma_wait3A_53] : memref<8192x768xf32, #tpu.memory_space<hbm>> -> memref<64x768xf32, #tpu.memory_space<hbm>>
      %dma_wait3A_55 = arith.constant 0 : i32
      %dma_wait3A_56 = tpu.memref_slice %arg4[%add3A_29, %dma_wait3A_55] : memref<8192x768xf32, #tpu.memory_space<hbm>> -> memref<64x768xf32, #tpu.memory_space<hbm>>
      tpu.wait_dma2 semaphore(%run_scoped3A : memref<!tpu.dma_semaphore, #tpu.memory_space<semaphore_mem>>) src(%arg7 : memref<64x768xf32, #tpu.memory_space<vmem>>) dst(%dma_wait3A_56 : memref<64x768xf32, #tpu.memory_space<hbm>>)
      tpu.yield
    }) : () -> ()
    %dma_start3A_30 = arith.constant 192 : i32
    %dma_start3A_31 = tpu.memref_slice %arg5[%dma_start3A_30] : memref<256xi32, #tpu.memory_space<vmem>> -> memref<64xi32, #tpu.memory_space<vmem>>
    %dma_start3A_32 = arith.constant 0 : i32
    %dma_start3A_33 = arith.constant 0 : i32
    %dma_start3A_34 = tpu.memref_slice %arg2[%dma_start3A_32, %dma_start3A_33] : memref<8192x768xf32, #tpu.memory_space<hbm>> -> memref<8192x768xf32, #tpu.memory_space<hbm>>
    tpu.enqueue_indirect_dma source(%dma_start3A_34 : memref<8192x768xf32, #tpu.memory_space<hbm>>) target(%arg7 : memref<64x768xf32, #tpu.memory_space<vmem>>) offsets(%dma_start3A_31 : memref<64xi32, #tpu.memory_space<vmem>>) semaphore(%arg9 : memref<!tpu.dma_semaphore, #tpu.memory_space<semaphore_mem>>)
    %dma_wait3A_35 = arith.constant 128 : i32
    %dma_wait3A_36 = tpu.memref_slice %arg5[%dma_wait3A_35] : memref<256xi32, #tpu.memory_space<vmem>> -> memref<64xi32, #tpu.memory_space<vmem>>
    %dma_wait3A_37 = arith.constant 0 : i32
    %dma_wait3A_38 = arith.constant 0 : i32
    %dma_wait3A_39 = tpu.memref_slice %arg2[%dma_wait3A_37, %dma_wait3A_38] : memref<8192x768xf32, #tpu.memory_space<hbm>> -> memref<8192x768xf32, #tpu.memory_space<hbm>>
    tpu.wait_indirect_dma semaphore(%arg8 : memref<!tpu.dma_semaphore, #tpu.memory_space<semaphore_mem>>) src(%dma_wait3A_39 : memref<8192x768xf32, #tpu.memory_space<hbm>>) dst(%arg6 : memref<64x768xf32, #tpu.memory_space<vmem>>)
    %add3A_40 = arith.constant 128 : i32
    %add3A_41 = arith.addi %mul3A_2, %add3A_40 : i32
    "tpu.region"() ({
      %run_scoped3A = tpu.sem_alloc : memref<!tpu.dma_semaphore, #tpu.memory_space<semaphore_mem>>
      %dma_start3A_49 = arith.constant 0 : i32
      %dma_start3A_50 = tpu.memref_slice %arg4[%add3A_41, %dma_start3A_49] : memref<8192x768xf32, #tpu.memory_space<hbm>> -> memref<64x768xf32, #tpu.memory_space<hbm>>
      %dma_start3A_51 = arith.constant 0 : i32
      %dma_start3A_52 = tpu.memref_slice %arg4[%add3A_41, %dma_start3A_51] : memref<8192x768xf32, #tpu.memory_space<hbm>> -> memref<64x768xf32, #tpu.memory_space<hbm>>
      tpu.enqueue_dma source(%arg6 : memref<64x768xf32, #tpu.memory_space<vmem>>) target(%dma_start3A_52 : memref<64x768xf32, #tpu.memory_space<hbm>>) target_semaphore(%run_scoped3A : memref<!tpu.dma_semaphore, #tpu.memory_space<semaphore_mem>>)
      %dma_wait3A_53 = arith.constant 0 : i32
      %dma_wait3A_54 = tpu.memref_slice %arg4[%add3A_41, %dma_wait3A_53] : memref<8192x768xf32, #tpu.memory_space<hbm>> -> memref<64x768xf32, #tpu.memory_space<hbm>>
      %dma_wait3A_55 = arith.constant 0 : i32
      %dma_wait3A_56 = tpu.memref_slice %arg4[%add3A_41, %dma_wait3A_55] : memref<8192x768xf32, #tpu.memory_space<hbm>> -> memref<64x768xf32, #tpu.memory_space<hbm>>
      tpu.wait_dma2 semaphore(%run_scoped3A : memref<!tpu.dma_semaphore, #tpu.memory_space<semaphore_mem>>) src(%arg6 : memref<64x768xf32, #tpu.memory_space<vmem>>) dst(%dma_wait3A_56 : memref<64x768xf32, #tpu.memory_space<hbm>>)
      tpu.yield
    }) : () -> ()
    %dma_wait3A_42 = arith.constant 192 : i32
    %dma_wait3A_43 = tpu.memref_slice %arg5[%dma_wait3A_42] : memref<256xi32, #tpu.memory_space<vmem>> -> memref<64xi32, #tpu.memory_space<vmem>>
    %dma_wait3A_44 = arith.constant 0 : i32
    %dma_wait3A_45 = arith.constant 0 : i32
    %dma_wait3A_46 = tpu.memref_slice %arg2[%dma_wait3A_44, %dma_wait3A_45] : memref<8192x768xf32, #tpu.memory_space<hbm>> -> memref<8192x768xf32, #tpu.memory_space<hbm>>
    tpu.wait_indirect_dma semaphore(%arg9 : memref<!tpu.dma_semaphore, #tpu.memory_space<semaphore_mem>>) src(%dma_wait3A_46 : memref<8192x768xf32, #tpu.memory_space<hbm>>) dst(%arg7 : memref<64x768xf32, #tpu.memory_space<vmem>>)
    %add3A_47 = arith.constant 192 : i32
    %add3A_48 = arith.addi %mul3A_2, %add3A_47 : i32
    "tpu.region"() ({
      %run_scoped3A = tpu.sem_alloc : memref<!tpu.dma_semaphore, #tpu.memory_space<semaphore_mem>>
      %dma_start3A_49 = arith.constant 0 : i32
      %dma_start3A_50 = tpu.memref_slice %arg4[%add3A_48, %dma_start3A_49] : memref<8192x768xf32, #tpu.memory_space<hbm>> -> memref<64x768xf32, #tpu.memory_space<hbm>>
      %dma_start3A_51 = arith.constant 0 : i32
      %dma_start3A_52 = tpu.memref_slice %arg4[%add3A_48, %dma_start3A_51] : memref<8192x768xf32, #tpu.memory_space<hbm>> -> memref<64x768xf32, #tpu.memory_space<hbm>>
      tpu.enqueue_dma source(%arg7 : memref<64x768xf32, #tpu.memory_space<vmem>>) target(%dma_start3A_52 : memref<64x768xf32, #tpu.memory_space<hbm>>) target_semaphore(%run_scoped3A : memref<!tpu.dma_semaphore, #tpu.memory_space<semaphore_mem>>)
      %dma_wait3A_53 = arith.constant 0 : i32
      %dma_wait3A_54 = tpu.memref_slice %arg4[%add3A_48, %dma_wait3A_53] : memref<8192x768xf32, #tpu.memory_space<hbm>> -> memref<64x768xf32, #tpu.memory_space<hbm>>
      %dma_wait3A_55 = arith.constant 0 : i32
      %dma_wait3A_56 = tpu.memref_slice %arg4[%add3A_48, %dma_wait3A_55] : memref<8192x768xf32, #tpu.memory_space<hbm>> -> memref<64x768xf32, #tpu.memory_space<hbm>>
      tpu.wait_dma2 semaphore(%run_scoped3A : memref<!tpu.dma_semaphore, #tpu.memory_space<semaphore_mem>>) src(%arg7 : memref<64x768xf32, #tpu.memory_space<vmem>>) dst(%dma_wait3A_56 : memref<64x768xf32, #tpu.memory_space<hbm>>)
      tpu.yield
    }) : () -> ()
    return
  }
}

module attributes {stable_mosaic.version = 14 : i64} {
  func.func @_mm_body(%arg0: i32, %arg1: memref<15xi32, #tpu.memory_space<smem>>, %arg2: memref<15xi32, #tpu.memory_space<smem>>, %arg3: memref<15xi32, #tpu.memory_space<smem>>, %arg4: memref<15xi32, #tpu.memory_space<smem>>, %arg5: memref<1024x768xf32, #tpu.memory_space<vmem>>, %arg6: memref<1x768x768xf32, #tpu.memory_space<vmem>>, %arg7: memref<1x1x768xf32, #tpu.memory_space<vmem>>, %arg8: memref<1024x768xf32, #tpu.memory_space<vmem>>) attributes {dimension_semantics = [#tpu.dimension_semantics<arbitrary>], iteration_bounds = array<i64: 15>, scalar_prefetch = 4 : i64, scratch_operands = 0 : i64, tpu.core_type = #tpu.core_type<tc>, window_params = [{transform_indices = @transform_0, window_bounds = array<i64: 1024, 768>}, {transform_indices = @transform_1, window_bounds = array<i64: 1, 768, 768>}, {transform_indices = @transform_2, window_bounds = array<i64: 1, 1, 768>}, {transform_indices = @transform_3, window_bounds = array<i64: 1024, 768>}]} {
    %get3A = arith.index_cast %arg0 : i32 to index
    %get3A_0 = memref.load %arg1[%get3A] : memref<15xi32, #tpu.memory_space<smem>>
    %get3A_1 = arith.index_cast %arg0 : i32 to index
    %get3A_2 = memref.load %arg3[%get3A_1] : memref<15xi32, #tpu.memory_space<smem>>
    %get3A_3 = arith.index_cast %arg0 : i32 to index
    %get3A_4 = memref.load %arg4[%get3A_3] : memref<15xi32, #tpu.memory_space<smem>>
    %eq3A = arith.constant 0 : i32
    %eq3A_5 = arith.cmpi eq, %arg0, %eq3A : i32
    %sub3A = arith.constant 1 : i32
    %sub3A_6 = arith.subi %arg0, %sub3A : i32
    %max3A = arith.constant 0 : i32
    %max3A_7 = arith.maxsi %sub3A_6, %max3A : i32
    %get3A_8 = arith.index_cast %max3A_7 : i32 to index
    %get3A_9 = memref.load %arg1[%get3A_8] : memref<15xi32, #tpu.memory_space<smem>>
    %jit3A = arith.constant -1 : i32
    %select_n3A = arith.select %eq3A_5, %jit3A, %get3A_9 : i32
    %ne3A = arith.cmpi ne, %get3A_0, %select_n3A : i32
    %convert_element_type3A = arith.extui %ne3A : i1 to i32
    %cond3A = arith.constant 0 : i32
    %cond3A_10 = arith.cmpi ne, %convert_element_type3A, %cond3A : i32
    scf.if %cond3A_10 {
      %broadcast_in_dim3A_41 = arith.constant 0.000000e+00 : f32
      %broadcast_in_dim3A_42 = vector.broadcast %broadcast_in_dim3A_41 : f32 to vector<1024x768xf32>
      %swap3A_43 = arith.constant 0 : index
      %swap3A_44 = arith.constant 0 : index
      %swap3A_45 = vector.load %arg8[%swap3A_43, %swap3A_44] : memref<1024x768xf32, #tpu.memory_space<vmem>>, vector<1024x768xf32>
      tpu.vector_store %arg8[%swap3A_43, %swap3A_44], %broadcast_in_dim3A_42 {strides = array<i32>} : memref<1024x768xf32, #tpu.memory_space<vmem>>, vector<1024x768xf32>,
    } else {
    }
    %mul3A = arith.constant 1024 : i32
    %mul3A_11 = arith.muli %get3A_0, %mul3A : i32
    %iota3A = tpu.iota {dimensions = array<i32: 0>} : vector<1024x1xi32>
    %add3A = vector.broadcast %mul3A_11 : i32 to vector<1024x1xi32>
    %add3A_12 = arith.addi %add3A, %iota3A : vector<1024x1xi32>
    %ge3A = vector.broadcast %get3A_2 : i32 to vector<1024x1xi32>
    %ge3A_13 = arith.cmpi sge, %add3A_12, %ge3A : vector<1024x1xi32>
    %lt3A = vector.broadcast %get3A_4 : i32 to vector<1024x1xi32>
    %lt3A_14 = arith.cmpi slt, %add3A_12, %lt3A : vector<1024x1xi32>
    %and3A = arith.andi %ge3A_13, %lt3A_14 : vector<1024x1xi1>
    %get3A_15 = arith.constant 0 : index
    %get3A_16 = arith.constant 0 : index
    %get3A_17 = vector.load %arg5[%get3A_15, %get3A_16] : memref<1024x768xf32, #tpu.memory_space<vmem>>, vector<1024x768xf32>
    %get3A_18 = arith.constant 0 : index
    %get3A_19 = arith.constant 0 : index
    %get3A_20 = arith.constant 0 : index
    %get3A_21 = vector.load %arg6[%get3A_18, %get3A_19, %get3A_20] : memref<1x768x768xf32, #tpu.memory_space<vmem>>, vector<1x768x768xf32>
    %get3A_22 = vector.shape_cast %get3A_21 : vector<1x768x768xf32> to vector<768x768xf32>
    %dot_general3A = arith.constant dense<0.000000e+00> : vector<1024x768xf32>
    %dot_general3A_23 = tpu.matmul %get3A_17, %get3A_22, %dot_general3A {dimension_numbers = #tpu.dot_dimension_numbers<[1], [0], [0], [1], [0, 0, 1, 1], [], []>, transpose_lhs_hint = false} : vector<1024x768xf32>, vector<768x768xf32>, vector<1024x768xf32> -> vector<1024x768xf32>
    %get3A_24 = arith.constant 0 : index
    %get3A_25 = arith.constant 0 : index
    %get3A_26 = arith.constant 0 : index
    %get3A_27 = vector.load %arg7[%get3A_24, %get3A_25, %get3A_26] : memref<1x1x768xf32, #tpu.memory_space<vmem>>, vector<1x1x768xf32>
    %get3A_28 = vector.shape_cast %get3A_27 : vector<1x1x768xf32> to vector<1x768xf32>
    %add3A_29 = vector.broadcast %get3A_28 : vector<1x768xf32> to vector<1024x768xf32>
    %add3A_30 = arith.addf %dot_general3A_23, %add3A_29 : vector<1024x768xf32>
    %get3A_31 = arith.constant 0 : index
    %get3A_32 = arith.constant 0 : index
    %get3A_33 = vector.load %arg8[%get3A_31, %get3A_32] : memref<1024x768xf32, #tpu.memory_space<vmem>>, vector<1024x768xf32>
    %jit3A_34 = arith.constant 0.000000e+00 : f32
    %broadcast_in_dim3A = vector.shape_cast %and3A : vector<1024x1xi1> to vector<1024x1xi1>
    %broadcast_in_dim3A_35 = vector.broadcast %broadcast_in_dim3A : vector<1024x1xi1> to vector<1024x768xi1>
    %broadcast_in_dim3A_36 = vector.broadcast %jit3A_34 : f32 to vector<1024x768xf32>
    %select_n3A_37 = arith.select %broadcast_in_dim3A_35, %add3A_30, %broadcast_in_dim3A_36 : vector<1024x768xi1>, vector<1024x768xf32>
    %add3A_38 = arith.addf %get3A_33, %select_n3A_37 : vector<1024x768xf32>
    %swap3A = arith.constant 0 : index
    %swap3A_39 = arith.constant 0 : index
    %swap3A_40 = vector.load %arg8[%swap3A, %swap3A_39] : memref<1024x768xf32, #tpu.memory_space<vmem>>, vector<1024x768xf32>
    tpu.vector_store %arg8[%swap3A, %swap3A_39], %add3A_38 {strides = array<i32>} : memref<1024x768xf32, #tpu.memory_space<vmem>>, vector<1024x768xf32>,
    return
  }
  func.func @transform_0(%arg0: i32, %arg1: memref<15xi32, #tpu.memory_space<smem>>, %arg2: memref<15xi32, #tpu.memory_space<smem>>, %arg3: memref<15xi32, #tpu.memory_space<smem>>, %arg4: memref<15xi32, #tpu.memory_space<smem>>) -> (i32, i32) {
    %get3A = arith.index_cast %arg0 : i32 to index
    %get3A_0 = memref.load %arg1[%get3A] : memref<15xi32, #tpu.memory_space<smem>>
    %c0_i32 = arith.constant 0 : i32
    %c0_i32_1 = arith.constant 0 : i32
    return %get3A_0, %c0_i32 : i32, i32
  }
  func.func @transform_1(%arg0: i32, %arg1: memref<15xi32, #tpu.memory_space<smem>>, %arg2: memref<15xi32, #tpu.memory_space<smem>>, %arg3: memref<15xi32, #tpu.memory_space<smem>>, %arg4: memref<15xi32, #tpu.memory_space<smem>>) -> (i32, i32, i32) {
    %get3A = arith.index_cast %arg0 : i32 to index
    %get3A_0 = memref.load %arg2[%get3A] : memref<15xi32, #tpu.memory_space<smem>>
    %c0_i32 = arith.constant 0 : i32
    %c0_i32_1 = arith.constant 0 : i32
    %c0_i32_2 = arith.constant 0 : i32
    return %get3A_0, %c0_i32, %c0_i32_1 : i32, i32, i32
  }
  func.func @transform_2(%arg0: i32, %arg1: memref<15xi32, #tpu.memory_space<smem>>, %arg2: memref<15xi32, #tpu.memory_space<smem>>, %arg3: memref<15xi32, #tpu.memory_space<smem>>, %arg4: memref<15xi32, #tpu.memory_space<smem>>) -> (i32, i32, i32) {
    %get3A = arith.index_cast %arg0 : i32 to index
    %get3A_0 = memref.load %arg2[%get3A] : memref<15xi32, #tpu.memory_space<smem>>
    %c0_i32 = arith.constant 0 : i32
    %c0_i32_1 = arith.constant 0 : i32
    %c0_i32_2 = arith.constant 0 : i32
    return %get3A_0, %c0_i32, %c0_i32_1 : i32, i32, i32
  }
  func.func @transform_3(%arg0: i32, %arg1: memref<15xi32, #tpu.memory_space<smem>>, %arg2: memref<15xi32, #tpu.memory_space<smem>>, %arg3: memref<15xi32, #tpu.memory_space<smem>>, %arg4: memref<15xi32, #tpu.memory_space<smem>>) -> (i32, i32) {
    %get3A = arith.index_cast %arg0 : i32 to index
    %get3A_0 = memref.load %arg1[%get3A] : memref<15xi32, #tpu.memory_space<smem>>
    %c0_i32 = arith.constant 0 : i32
    %c0_i32_1 = arith.constant 0 : i32
    return %get3A_0, %c0_i32 : i32, i32
  }
}

</mosaic_0001>

<sc_bundles>
// kernel: kernel.5.cloned.1.call-start
scs
__scs_entry_jumppad:
0x0: {  	(pc) =	sbr.rel $0x88, $3  }
0x1: {  	(tag) =	ssettag $0x0;
	lr =	simm.s32 $0x1  }
0x2: {  	[smem:$0x3F9C] =	sst lr;
	_ =	strace $0xD0000000  }
0x3: {  	_ = 	snop  }
0x4: {  	_ = 	snop  }
0x5: {  	_ = 	snop  }
0x6: {  	_ = 	snop  }
0x7: {  	_ = 	snop  }
__scs_overlays_trampoline_lowered:
0x8: {  	[smem:$0x3FAB] =	sst s0  }
0x9: {  	[smem:$0x3FAC] =	sst s1  }
0xa: {  	[smem:$0x3FAD] =	sst s2  }
0xb: {  	[smem:$0x3FAE] =	sst s3  }
0xc: {  	[smem:$0x3FAF] =	sst s4  }
0xd: {  	[smem:$0x3FB0] =	sst s5  }
0xe: {  	[smem:$0x3FB1] =	sst s6  }
0xf: {  	[smem:$0x3FB2] =	sst s7  }
0x10: {  	[smem:$0x3FB3] =	sst s8  }
0x11: {  	[smem:$0x3FB4] =	sst s9;
	s0 =	simm.s32 @!p0 $0x0  }
0x12: {  	s1 =	sld [smem:$0x3F9A];
	s0 =	simm.s32 @p0 $0x1  }
0x13: {  	[smem:$0x3FB5] =	sst s0;
	s0 =	simm.s32 @!p1 $0x0  }
0x14: {  	s2 =	sld [smem:$0x3F99];
	s0 =	simm.s32 @p1 $0x1  }
0x15: {  	[smem:$0x3FB6] =	sst s0;
	s0 =	simm.s32 @!p2 $0x0  }
0x16: {  	s3 =	sld [smem:$0x3FDB];
	s0 =	simm.s32 @p2 $0x1  }
0x17: {  	s4 =	simm.s32 $0x1BF5;
	[smem:$0x3FB8] =	sst s0  }
0x18: {  	s0 =	sld [smem:$0x3F9B];
	_ =	swait.ge [sflag:s4], $0x0  }
0x19: {  	s7 =	sld [smem:$0x3F9C]  }
0x1a: {  	s8 =	sadd.s32 $0xFFFFE003, lr  }
0x1b: {  	s9 =	sadd.s32 $0xFFFFFEF7, lr;
	s5 =	simm.s32 $0xFFFFFFFF;
	p2 =	slt.u32 s8, $0xFFFFF086  }
0x1c: {  	p1 =	slt.u32 s9, $0xF7A;
	s5 =	simm.s32 @!p2 $0x0  }
0x1d: {  	s5 =	simm.s32 @p1 $0x1;
	p0 =	seq.s32 s7, s2  }
0x1e: {  	s7 =	smul.u32 @!p0 $0xF7A, s2;
	p2 =	seq.s32 @!p0 s5, $0x0  }
0x1f: {  	s9 =	smul.u32 $0xF7A, s1;
	s8 =	simm.s32 @!p0 $0x1BF5;
	p2 =	por !p2, p0  }
0x20: {  	[sflag:s8] =	ssyncset.s32 @!p0 $0xFFFFF086;
	s6 =	sadd.s32 @!p0 s3, s7;
	s7 =	simm.s32 @!p0 $0x108  }
0x21: {  	s3 =	sadd.s32 s3, s9;
	s6 =	sadd.s32 @!p0 $0x88, s6;
	s7 =	simm.s32 @p2 $0x1082  }
0x22: {  	[simem:s7], [sflag:s8] =	dma.local @!p0 [hbm:s6], $0xF7A  }
0x23: {  	s9 =	sor.u32 $0xD0000000, s2;
	s6 =	simm.s32 $0x108;
	_ =	swait.ge @!p0 [sflag:s8], $0x0  }
0x24: {  	s3 =	sadd.s32 $0x88, s3;
	s6 =	simm.s32 @!p1 $0x1082;
	[sflag:s4] =	ssyncset.s32 $0xFFFFF086  }
0x25: {  	[simem:s6], [sflag:s4] =	dma.local [hbm:s3], $0xF7A  }
0x26: {  	[smem:$0x3F9C] =	sst s1;
	(tag) =	ssettag s2;
	_ =	strace s9  }
0x27: {  	s1 =	sld [smem:$0x3FAC]  }
0x28: {  	s2 =	sld [smem:$0x3FAD]  }
0x29: {  	s4 =	sld [smem:$0x3FAF]  }
0x2a: {  	p0 =	seq.s32 s5, $0x0;
	s5 =	sld [smem:$0x3FB0]  }
0x2b: {  	s6 =	sld [smem:$0x3FB1]  }
0x2c: {  	s7 =	sld [smem:$0x3FB2]  }
0x2d: {  	s3 =	simm.s32 $0x108;
	s8 =	sld [smem:$0x3FB3]  }
0x2e: {  	s3 =	simm.s32 @!p0 $0x1082;
	s9 =	sld [smem:$0x3FB4]  }
0x2f: {  	lr =	sadd.s32 s0, s3;
	s0 =	sld [smem:$0x3FAB]  }
0x30: {  	s3 =	sld [smem:$0x3FAE]  }
0x31: {  	[smem:$0x3FB7] =	sst s10  }
0x32: {  	s10 =	sld [smem:$0x3FB5];
	_ =	sdelay $0x3  }
0x33: {  	p0 =	seq.s32 s10, $0x1;
	s10 =	sld [smem:$0x3FB7];
	_ =	sdelay $0x3  }
0x34: {  	[smem:$0x3FB7] =	sst s10  }
0x35: {  	s10 =	sld [smem:$0x3FB6];
	_ =	sdelay $0x3  }
0x36: {  	p1 =	seq.s32 s10, $0x1;
	s10 =	sld [smem:$0x3FB7];
	_ =	sdelay $0x3  }
0x37: {  	[smem:$0x3FB7] =	sst s10  }
0x38: {  	s10 =	sld [smem:$0x3FB8]  }
0x39: {  	_ = 	snop;
	(pc) =	sbr.ind lr, $3  }
0x3a: {  	_ = 	snop  }
0x3b: {  	_ = 	snop  }
0x3c: {  	p2 =	seq.s32 s10, $0x1;
	s10 =	sld [smem:$0x3FB7]  }
0x3d: {  	_ =	shalt  }
0x3e: {  	_ =	shalt  }
0x3f: {  	_ =	shalt  }
0x40: {  	_ =	shalt  }
0x41: {  	_ =	shalt  }
0x42: {  	_ =	shalt  }
0x43: {  	_ =	shalt  }
0x44: {  	_ =	shalt  }
0x45: {  	_ =	shalt  }
0x46: {  	_ =	shalt  }
0x47: {  	_ =	shalt  }
0x48: {  	_ =	shalt  }
0x49: {  	_ =	shalt  }
0x4a: {  	_ =	shalt  }
0x4b: {  	_ =	shalt  }
0x4c: {  	_ =	shalt  }
0x4d: {  	_ =	shalt  }
0x4e: {  	_ =	shalt  }
0x4f: {  	_ =	shalt  }
0x50: {  	_ =	shalt  }
0x51: {  	_ =	shalt  }
0x52: {  	_ =	shalt  }
0x53: {  	_ =	shalt  }
0x54: {  	_ =	shalt  }
0x55: {  	_ =	shalt  }
0x56: {  	_ =	shalt  }
0x57: {  	_ =	shalt  }
0x58: {  	_ =	shalt  }
0x59: {  	_ =	shalt  }
0x5a: {  	_ =	shalt  }
0x5b: {  	_ =	shalt  }
0x5c: {  	_ =	shalt  }
0x5d: {  	_ =	shalt  }
0x5e: {  	_ =	shalt  }
0x5f: {  	_ =	shalt  }
0x60: {  	_ =	shalt  }
0x61: {  	_ =	shalt  }
0x62: {  	_ =	shalt  }
0x63: {  	_ =	shalt  }
0x64: {  	_ =	shalt  }
0x65: {  	_ =	shalt  }
0x66: {  	_ =	shalt  }
0x67: {  	_ =	shalt  }
0x68: {  	_ =	shalt  }
0x69: {  	_ =	shalt  }
0x6a: {  	_ =	shalt  }
0x6b: {  	_ =	shalt  }
0x6c: {  	_ =	shalt  }
0x6d: {  	_ =	shalt  }
0x6e: {  	_ =	shalt  }
0x6f: {  	_ =	shalt  }
0x70: {  	_ =	shalt  }
0x71: {  	_ =	shalt  }
0x72: {  	_ =	shalt  }
0x73: {  	_ =	shalt  }
0x74: {  	_ =	shalt  }
0x75: {  	_ =	shalt  }
0x76: {  	_ =	shalt  }
0x77: {  	_ =	shalt  }
0x78: {  	_ =	shalt  }
0x79: {  	_ =	shalt  }
0x7a: {  	_ =	shalt  }
0x7b: {  	_ =	shalt  }
0x7c: {  	_ =	shalt  }
0x7d: {  	_ =	shalt  }
0x7e: {  	_ =	shalt  }
0x7f: {  	_ =	shalt  }
0x80: {  	_ =	shalt  }
0x81: {  	_ =	shalt  }
0x82: {  	_ =	shalt  }
0x83: {  	_ =	shalt  }
0x84: {  	_ =	shalt  }
0x85: {  	_ =	shalt  }
0x86: {  	_ =	shalt  }
0x87: {  	_ =	shalt  }
.Lfunc_end0:
.L_simem_size_0:
called_computation.1_lowered:
.L_overlay_start_0:
0x88: {  	s2 =	sld [smem:$0x3FD9]  }
0x89: {  	s3 =	sld [smem:$0x3FFE];
	_ =	sdelay $0x1  }
0x8a: {  	s1 =	srdreg.scid  }
0x8b: {  	s0 =	sand.u32 $0x1, s1  }
0x8c: {  	s17 =	sshll.u32 s0, $0xA;
	s2 =	sadd.s32 s3, s2  }
0x8d: {  	s2 =	sadd.s32 s2, s17  }
0x8e: {  	[smem:$0x3FC3] =	sst s2  }
0x8f: {  	_ = 	snop  }
0x90: {  	s4 =	sld [smem:$0x3FC9]  }
0x91: {  	s18 =	sld [smem:$0x3FD0];
	(tm) =	ssettm $0x1  }
0x92: {  	s19 =	sld [smem:$0x3FFB];
	_ =	sdelay $0x3  }
0x93: {  	_ =	strace s19  }
0x94: {  	s2 =	sld [smem:$0x3FFC];
	_ =	sdelay $0x3  }
0x95: {  	_ =	strace s2  }
0x96: {  	s2 =	sld [smem:$0x3FFD];
	_ =	sdelay $0x3  }
0x97: {  	_ =	strace s2  }
0x98: {  	_ =	strace $0x8FFFFFFF  }
0x99: {  	s20 =	sld [smem:$0x3FDB];
	_ =	sdelay $0x1  }
0x9a: {  	s5 =	simm.s32 $_scs_section_size  }
0x9b: {  	s6 =	simm.s32 $_size__tile_overlayer_lowered;
	s7 =	simm.s32 $_tile_overlayer_lowered  }
0x9c: {  	s8 =	simm.s32 $0x1BFF;
	s21 =	sshll.u32 s7, $0x1;
	s5 =	sadd.s32 s5, s20  }
0x9d: {  	s22 =	simm.s32 $0x0;
	s6 =	sshll.u32 s6, $0x1;
	s7 =	sadd.s32 s21, s5  }
0x9e: {  	[timem:s22], [sflag:s8] =	dma.local [hbm:s7], s6  }
0x9f: {  	_ =	swait.ge [sflag:s8], s6  }
0xa0: {  	s6 =	ssub.s32 $0x0, s6;
	[sflag:s8] =	ssyncset.done $0x0  }
0xa1: {  	[sflag:s8] =	ssyncadd.s32 s6;
	_ =	sdelay $0x1  }
0xa2: {  	s23 =	simm.s32 $0x1B8B  }
0xa3: {  	_ =	swait.ge [sflag:s23], $0x1  }
0xa4: {  	[sflag:s23] =	ssyncset.done $0x0  }
0xa5: {  	[sflag:s23] =	ssyncadd.s32 $0xFFFFFFFF  }
0xa6: {  	s6 =	sld [smem:$0x0]  }
0xa7: {  	s7 =	sand.u32 $0xFFFFFFFE, s1  }
0xa8: {  	p0 =	sne.s32 s1, s7  }
0xa9: {  	s7 =	sshll.u32 @p0 s7, $0xE  }
0xaa: {  	s7 =	sadd.s32 @p0 $0x11B8D, s7;
	s8 =	sshll.u32 @p0 s6, $0x11  }
0xab: {  	s7 =	sor.u32 @p0 s8, s7  }
0xac: {  	[sflag:s7] =	ssyncadd.remote.s32 @p0 $0x1;
	_ =	sdelay $0x1  }
0xad: {  	s7 =	simm.s32 @p0 $0x1B8D  }
0xae: {  	_ =	swait.eq @p0 [sflag:s7], $0x1  }
0xaf: {  	[sflag:s7] =	ssyncadd.s32 @p0 $0xFFFFFFFF  }
0xb0: {  	s8 =	sshll.u32 @!p0 s1, $0xE  }
0xb1: {  	s8 =	sor.u32 @!p0 $0x4000, s8;
	s7 =	simm.s32 @!p0 $0x1B8D  }
0xb2: {  	s6 =	sshll.u32 @!p0 s6, $0x11;
	s8 =	sadd.s32 @!p0 $0x11B8D, s8;
	_ =	swait.eq @!p0 [sflag:s7], $0x1  }
0xb3: {  	s6 =	sor.u32 @!p0 s6, s8;
	[sflag:s7] =	ssyncadd.s32 @!p0 $0xFFFFFFFF  }
0xb4: {  	s25 =	simm.s32 $0x1B8E;
	s24 =	sld [smem:$0x3FFE];
	[sflag:s6] =	ssyncadd.remote.s32 @!p0 $0x1  }
0xb5: {  	s26 =	simm.s32 $execute0_lowered;
	[smem:$0x3FD2] =	sst s25  }
0xb6: {  	s7 =	sshll.u32 s26, $0x1;
	_ =	strace $0x80000049;
	[dreg:$0x1] =	wrdreg $0xFFFFFFFF  }
0xb7: {  	s28 =	simm.s32 $_size_execute0_lowered;
	s5 =	sadd.s32 s5, s7;
	[dreg:$0x0] =	wrdreg $0x0  }
0xb8: {  	s7 =	sshll.u32 s28, $0x1;
	[dreg:$0x2] =	wrdreg s5  }
0xb9: {  	[dreg:$0x3] =	wrdreg s7  }
0xba: {  	[dreg:$0x4] =	wrdreg $0xC0  }
0xbb: {  	_ =	task [dreg:s22], $0x5FFFF  }
0xbc: {  	[dreg:$0x1] =	wrdreg $0xFFFFFFFF  }
0xbd: {  	[dreg:$0x0] =	wrdreg $0x60  }
0xbe: {  	[dreg:$0x2] =	wrdreg s4  }
0xbf: {  	[dreg:$0x3] =	wrdreg s24  }
0xc0: {  	[dreg:$0x4] =	wrdreg s18  }
0xc1: {  	[dreg:$0x5] =	wrdreg $0xA  }
0xc2: {  	_ =	task.clear_ibuf [dreg:s22], $0x6FFFF;
	_ =	strace $0x90000049  }
0xc3: {  	s29 =	simm.s32 $0xA;
	_ =	strace $0x8000004B  }
0xc4: {  	_ =	swait.ge [sflag:s29], $0x1  }
0xc5: {  	[sflag:s29] =	ssyncadd.s32 $0xFFFFFFFF  }
0xc6: {  	_ =	strace $0x9000004B  }
0xc7: {  	_ =	sfence  }
0xc8: {  	s30 =	sld [smem:$0x0];
	_ =	sdelay $0x2  }
0xc9: {  	s31 =	sshll.u32 s1, $0xD;
	s1 =	sshrl.u32 s1, $0x2  }
0xca: {  	s4 =	sand.u32 $0x4000, s31;
	s1 =	sadd.s32 s1, s30  }
0xcb: {  	s0 =	sor.u32 s4, s0;
	s1 =	sshll.u32 s1, $0x11  }
0xcc: {  	s0 =	sor.u32 s1, s0  }
0xcd: {  	s0 =	sadd.s32 $0x8F2B, s0  }
0xce: {  	[sflag:s0] =	ssyncadd.remote.s32 $0x1  }
0xcf: {  	_ =	sfence.sel $0xFFFF  }
0xd0: {  	[dreg:$0x0] =	wrdreg $0xFFFFFFFF;
	(pc) =	sbr.abs _section_cstart, $3  }
0xd1: {  	[dreg:$0x1] =	wrdreg $0xFFFFFFFF  }
0xd2: {  	_ =	task.clear_ibuf [dreg:s22], $0x2FFFF;
	_ =	strace $0x9FFFFFFF  }
0xd3: {  	(tm) =	ssettm $0x7FFFFFFF  }
tec
execute0_lowered:
.L_overlay_start_1:
0x0: {  	(tag) =	ssettag $0x1  }
0x1: {  	s0 =	srdreg.scid;
	s1 =	rddreg [dreg:$0x0]  }
0x2: {  	s3 =	stileid.u32;
	s2 =	rddreg [dreg:$0x1]  }
0x3: {  	s5 =	rddreg [dreg:$0x2];
	s13 =	simm.s32 $0x900;
	s14 =	simm.s32 $0x1100  }
0x4: {  	s15 =	simm.s32 $0x1900;
	s16 =	simm.s32 $0x2100;
	s17 =	simm.s32 $0x2900  }
0x5: {  	s18 =	simm.s32 $0x3100;
	s19 =	simm.s32 $0x3900;
	s20 =	simm.s32 $0x4100  }
0x6: {  	s21 =	simm.s32 $0x4900;
	s28 =	simm.s32 $0x7900;
	s29 =	simm.s32 $0x8100  }
0x7: {  	s30 =	simm.s32 $0x8900;
	s31 =	simm.s32 $0x9100;
	s0 =	sand.u32 $0x1, s0  }
0x8: {  	s9 =	simm.s32 $0xA900;
	s3 =	sshll.u32 s3, $0x6;
	s4 =	sshll.u32 s0, $0x5  }
0x9: {  	s10 =	simm.s32 $0xB900;
	s11 =	simm.s32 $0xC100;
	s4 =	sor.u32 s4, s3  }
0xa: {  	s0 =	ssub.s32 $0x2, s0;
	s3 =	simm.s32 $0x0;
	s6 =	smul.u32 $0x300, s4  }
0xb: {  	s22 =	sshrl.u32 s0, $0x1;
	[smem:$0x7FF] =	sst s3;
	s7 =	smul.u32 $0x1800, s4  }
0xc: {  	s2 =	sadd.s32 s4, s2;
	s0 =	ssub.s32 s0, s22;
	s22 =	simm.s32 $0x5100  }
0xd: {  	_ =	strace $0x8000004A;
	s2 =	sadd.s32 $0xA00, s2;
	s4 =	smax.u32 s0, $0x1  }
0xe: {  	s8 =	sadd.s32 s5, s6;
	s23 =	sshrl.u32 s7, $0x3;
	[dreg:$0x4] =	wrdreg s2  }
0xf: {  	[dreg:$0x8] =	wrdreg s8;
	s24 =	sadd.s32 $0x1800, s8;
	s6 =	sadd.s32 s5, s23  }
0x10: {  	s5 =	sadd.s32 $0x100, s1;
	s8 =	simm.s32 $0x3;
	s23 =	simm.s32 $0x5900  }
0x11: {  	v2 =	vlaneseq.u32;
	[dreg:$0x5] =	wrdreg s24;
	s25 =	sadd.s32 $0x3000, s6;
	s26 =	sadd.s32 $0x4800, s6  }
0x12: {  	vm0 =	vmmov $0xffff;
	v1 =	vshrl.u32 v2, $0x3;
	s6 =	sadd.s32 $0x200, s1;
	s24 =	simm.s32 $0x6100;
	[dreg:$0x6] =	wrdreg s25  }
0x13: {  	v0 =	vand.u32 $0x7, v2;
	v2 =	vor.u32 $0x8, v2;
	v1 =	vmul.u32 $0x8, v1;
	[dreg:$0x7] =	wrdreg s26;
	s25 =	simm.s32 $0x6900;
	s26 =	simm.s32 $0x7100  }
.LBB2_1:
0x14: {  	s12 =	rddreg [dreg:$0x4]  }
0x15: {  	[tilespmem:s3], [sflag:$0x3] =	stream.linear.gather [hbm4b:s12+s3], $0x100, $0x38;
	[tilespmem:$0x18100] =	vst v63  }
0x16: {  	_ =	swait.ge [sflag:s8], $0x100  }
0x17: {  	[sflag:s8] =	ssyncset.done $0x0  }
0x18: {  	[sflag:s8] =	ssyncadd.s32 $0xFFFFFF00  }
0x19: {  	v3 =	vld [tilespmem:$0x0];
	_ =	sdelay $0x4  }
0x1a: {  	v4 =	vshrl.u32 v3, $0x3  }
0x1b: {  	v4 =	vmul.u32 $0x30, v4  }
0x1c: {  	v3 =	vand.u32 $0x7, v3  }
0x1d: {  	v3 =	vor.u32 v3, v4  }
0x1e: {  	v4 =	vperm.xlane v3, v0;
	_ =	sdelay $0x1  }
0x1f: {  	v4 =	vadd.s32 v1, v4;
	_ =	sdelay $0x3  }
0x20: {  	s0 =	simm.s32 $0x100;
	v3 =	vperm.xlane v3, v2  }
0x21: {  	[tilespmem:s0], [sflag:$0x1] =	stream.indirect_vreg.gather [hbm4b:s1+s3], $0x80, v4, vm0, $0xb8;
	[tilespmem:$0x18100] =	vst v63  }
0x22: {  	v3 =	vadd.s32 v1, v3  }
0x23: {  	[tilespmem:s13], [sflag:$0x1] =	stream.indirect_vreg.gather [hbm4b:s5+s3], $0x80, v4, vm0, $0xb8;
	[tilespmem:$0x18100] =	vst v63  }
0x24: {  	_ = 	snop  }
0x25: {  	[tilespmem:s14], [sflag:$0x1] =	stream.indirect_vreg.gather [hbm4b:s6+s3], $0x80, v4, vm0, $0xb8;
	[tilespmem:$0x18100] =	vst v63  }
0x26: {  	_ = 	snop  }
0x27: {  	[tilespmem:s15], [sflag:$0x1] =	stream.indirect_vreg.gather [hbm4b:s1+s3], $0x80, v3, vm0, $0xb8;
	[tilespmem:$0x18100] =	vst v63  }
0x28: {  	_ = 	snop  }
0x29: {  	[tilespmem:s16], [sflag:$0x1] =	stream.indirect_vreg.gather [hbm4b:s5+s3], $0x80, v3, vm0, $0xb8;
	[tilespmem:$0x18100] =	vst v63  }
0x2a: {  	_ = 	snop  }
0x2b: {  	[tilespmem:s17], [sflag:$0x1] =	stream.indirect_vreg.gather [hbm4b:s6+s3], $0x80, v3, vm0, $0xb8;
	[tilespmem:$0x18100] =	vst v63  }
0x2c: {  	v3 =	vld [tilespmem:$0x10];
	_ =	sdelay $0x4  }
0x2d: {  	v49 =	vshrl.u32 v3, $0x3  }
0x2e: {  	v4 =	vmul.u32 $0x30, v49  }
0x2f: {  	v3 =	vand.u32 $0x7, v3  }
0x30: {  	v3 =	vor.u32 v3, v4  }
0x31: {  	v4 =	vperm.xlane v3, v0;
	_ =	sdelay $0x1  }
0x32: {  	v4 =	vadd.s32 v1, v4;
	_ =	sdelay $0x3  }
0x33: {  	v3 =	vperm.xlane v3, v2  }
0x34: {  	[tilespmem:s18], [sflag:$0x1] =	stream.indirect_vreg.gather [hbm4b:s1+s3], $0x80, v4, vm0, $0xb8;
	[tilespmem:$0x18100] =	vst v63  }
0x35: {  	v3 =	vadd.s32 v1, v3  }
0x36: {  	[tilespmem:s19], [sflag:$0x1] =	stream.indirect_vreg.gather [hbm4b:s5+s3], $0x80, v4, vm0, $0xb8;
	[tilespmem:$0x18100] =	vst v63  }
0x37: {  	_ = 	snop  }
0x38: {  	[tilespmem:s20], [sflag:$0x1] =	stream.indirect_vreg.gather [hbm4b:s6+s3], $0x80, v4, vm0, $0xb8;
	[tilespmem:$0x18100] =	vst v63  }
0x39: {  	_ = 	snop  }
0x3a: {  	[tilespmem:s21], [sflag:$0x1] =	stream.indirect_vreg.gather [hbm4b:s1+s3], $0x80, v3, vm0, $0xb8;
	[tilespmem:$0x18100] =	vst v63  }
0x3b: {  	_ = 	snop  }
0x3c: {  	[tilespmem:s22], [sflag:$0x1] =	stream.indirect_vreg.gather [hbm4b:s5+s3], $0x80, v3, vm0, $0xb8;
	[tilespmem:$0x18100] =	vst v63  }
0x3d: {  	_ = 	snop  }
0x3e: {  	[tilespmem:s23], [sflag:$0x1] =	stream.indirect_vreg.gather [hbm4b:s6+s3], $0x80, v3, vm0, $0xb8;
	[tilespmem:$0x18100] =	vst v63  }
0x3f: {  	v3 =	vld [tilespmem:$0x20];
	_ =	sdelay $0x4  }
0x40: {  	v50 =	vshrl.u32 v3, $0x3  }
0x41: {  	v4 =	vmul.u32 $0x30, v50  }
0x42: {  	v3 =	vand.u32 $0x7, v3  }
0x43: {  	v3 =	vor.u32 v3, v4  }
0x44: {  	v4 =	vperm.xlane v3, v0;
	_ =	sdelay $0x1  }
0x45: {  	v4 =	vadd.s32 v1, v4;
	_ =	sdelay $0x3  }
0x46: {  	v3 =	vperm.xlane v3, v2  }
0x47: {  	[tilespmem:s24], [sflag:$0x1] =	stream.indirect_vreg.gather [hbm4b:s1+s3], $0x80, v4, vm0, $0xb8;
	[tilespmem:$0x18100] =	vst v63  }
0x48: {  	v3 =	vadd.s32 v1, v3  }
0x49: {  	[tilespmem:s25], [sflag:$0x1] =	stream.indirect_vreg.gather [hbm4b:s5+s3], $0x80, v4, vm0, $0xb8;
	[tilespmem:$0x18100] =	vst v63  }
0x4a: {  	_ = 	snop  }
0x4b: {  	[tilespmem:s26], [sflag:$0x1] =	stream.indirect_vreg.gather [hbm4b:s6+s3], $0x80, v4, vm0, $0xb8;
	[tilespmem:$0x18100] =	vst v63  }
0x4c: {  	_ = 	snop  }
0x4d: {  	[tilespmem:s28], [sflag:$0x1] =	stream.indirect_vreg.gather [hbm4b:s1+s3], $0x80, v3, vm0, $0xb8;
	[tilespmem:$0x18100] =	vst v63  }
0x4e: {  	_ = 	snop  }
0x4f: {  	[tilespmem:s29], [sflag:$0x1] =	stream.indirect_vreg.gather [hbm4b:s5+s3], $0x80, v3, vm0, $0xb8;
	[tilespmem:$0x18100] =	vst v63  }
0x50: {  	_ = 	snop  }
0x51: {  	[tilespmem:s30], [sflag:$0x1] =	stream.indirect_vreg.gather [hbm4b:s6+s3], $0x80, v3, vm0, $0xb8;
	[tilespmem:$0x18100] =	vst v63  }
0x52: {  	v3 =	vld [tilespmem:$0x30];
	_ =	sdelay $0x4  }
0x53: {  	v51 =	vshrl.u32 v3, $0x3  }
0x54: {  	v4 =	vmul.u32 $0x30, v51  }
0x55: {  	v3 =	vand.u32 $0x7, v3  }
0x56: {  	v3 =	vor.u32 v3, v4  }
0x57: {  	v4 =	vperm.xlane v3, v0;
	_ =	sdelay $0x1  }
0x58: {  	v4 =	vadd.s32 v1, v4;
	_ =	sdelay $0x3  }
0x59: {  	v3 =	vperm.xlane v3, v2  }
0x5a: {  	[tilespmem:s31], [sflag:$0x1] =	stream.indirect_vreg.gather [hbm4b:s1+s3], $0x80, v4, vm0, $0xb8;
	[tilespmem:$0x18100] =	vst v63  }
0x5b: {  	s2 =	simm.s32 $0x9900;
	v3 =	vadd.s32 v1, v3  }
0x5c: {  	[tilespmem:s2], [sflag:$0x1] =	stream.indirect_vreg.gather [hbm4b:s5+s3], $0x80, v4, vm0, $0xb8;
	[tilespmem:$0x18100] =	vst v63  }
0x5d: {  	s12 =	simm.s32 $0xA100  }
0x5e: {  	[tilespmem:s12], [sflag:$0x1] =	stream.indirect_vreg.gather [hbm4b:s6+s3], $0x80, v4, vm0, $0xb8;
	[tilespmem:$0x18100] =	vst v63  }
0x5f: {  	_ = 	snop  }
0x60: {  	[tilespmem:s9], [sflag:$0x1] =	stream.indirect_vreg.gather [hbm4b:s1+s3], $0x80, v3, vm0, $0xb8;
	[tilespmem:$0x18100] =	vst v63  }
0x61: {  	s7 =	simm.s32 $0xB100  }
0x62: {  	[tilespmem:s7], [sflag:$0x1] =	stream.indirect_vreg.gather [hbm4b:s5+s3], $0x80, v3, vm0, $0xb8;
	[tilespmem:$0x18100] =	vst v63  }
0x63: {  	_ = 	snop  }
0x64: {  	[tilespmem:s10], [sflag:$0x1] =	stream.indirect_vreg.gather [hbm4b:s6+s3], $0x80, v3, vm0, $0xb8;
	[tilespmem:$0x18100] =	vst v63  }
0x65: {  	v3 =	vld [tilespmem:$0x40];
	_ =	sdelay $0x4  }
0x66: {  	v52 =	vshrl.u32 v3, $0x3  }
0x67: {  	v4 =	vmul.u32 $0x30, v52  }
0x68: {  	v3 =	vand.u32 $0x7, v3  }
0x69: {  	v3 =	vor.u32 v3, v4  }
0x6a: {  	v4 =	vperm.xlane v3, v0;
	_ =	sdelay $0x1  }
0x6b: {  	v4 =	vadd.s32 v1, v4;
	_ =	sdelay $0x3  }
0x6c: {  	v3 =	vperm.xlane v3, v2  }
0x6d: {  	[tilespmem:s11], [sflag:$0x2] =	stream.indirect_vreg.gather [hbm4b:s1+s3], $0x80, v4, vm0, $0xb8;
	[tilespmem:$0x18100] =	vst v63  }
0x6e: {  	s12 =	simm.s32 $0xC900;
	v3 =	vadd.s32 v1, v3  }
0x6f: {  	[tilespmem:s12], [sflag:$0x2] =	stream.indirect_vreg.gather [hbm4b:s5+s3], $0x80, v4, vm0, $0xb8;
	[tilespmem:$0x18100] =	vst v63  }
0x70: {  	s7 =	simm.s32 $0xD100  }
0x71: {  	[tilespmem:s7], [sflag:$0x2] =	stream.indirect_vreg.gather [hbm4b:s6+s3], $0x80, v4, vm0, $0xb8;
	[tilespmem:$0x18100] =	vst v63  }
0x72: {  	s12 =	simm.s32 $0xD900  }
0x73: {  	[tilespmem:s12], [sflag:$0x2] =	stream.indirect_vreg.gather [hbm4b:s1+s3], $0x80, v3, vm0, $0xb8;
	[tilespmem:$0x18100] =	vst v63  }
0x74: {  	s7 =	simm.s32 $0xE100  }
0x75: {  	[tilespmem:s7], [sflag:$0x2] =	stream.indirect_vreg.gather [hbm4b:s5+s3], $0x80, v3, vm0, $0xb8;
	[tilespmem:$0x18100] =	vst v63  }
0x76: {  	s12 =	simm.s32 $0xE900  }
0x77: {  	[tilespmem:s12], [sflag:$0x2] =	stream.indirect_vreg.gather [hbm4b:s6+s3], $0x80, v3, vm0, $0xb8;
	[tilespmem:$0x18100] =	vst v63  }
0x78: {  	v3 =	vld [tilespmem:$0x50];
	_ =	sdelay $0x4  }
0x79: {  	v53 =	vshrl.u32 v3, $0x3  }
0x7a: {  	v4 =	vmul.u32 $0x30, v53  }
0x7b: {  	v3 =	vand.u32 $0x7, v3  }
0x7c: {  	v3 =	vor.u32 v3, v4  }
0x7d: {  	v4 =	vperm.xlane v3, v0;
	_ =	sdelay $0x1  }
0x7e: {  	v4 =	vadd.s32 v1, v4;
	_ =	sdelay $0x3  }
0x7f: {  	s7 =	simm.s32 $0xF100;
	v3 =	vperm.xlane v3, v2  }
0x80: {  	[tilespmem:s7], [sflag:$0x2] =	stream.indirect_vreg.gather [hbm4b:s1+s3], $0x80, v4, vm0, $0xb8;
	[tilespmem:$0x18100] =	vst v63  }
0x81: {  	s12 =	simm.s32 $0xF900;
	v3 =	vadd.s32 v1, v3  }
0x82: {  	[tilespmem:s12], [sflag:$0x2] =	stream.indirect_vreg.gather [hbm4b:s5+s3], $0x80, v4, vm0, $0xb8;
	[tilespmem:$0x18100] =	vst v63  }
0x83: {  	s7 =	simm.s32 $0x10100  }
0x84: {  	[tilespmem:s7], [sflag:$0x2] =	stream.indirect_vreg.gather [hbm4b:s6+s3], $0x80, v4, vm0, $0xb8;
	[tilespmem:$0x18100] =	vst v63  }
0x85: {  	s12 =	simm.s32 $0x10900  }
0x86: {  	[tilespmem:s12], [sflag:$0x2] =	stream.indirect_vreg.gather [hbm4b:s1+s3], $0x80, v3, vm0, $0xb8;
	[tilespmem:$0x18100] =	vst v63  }
0x87: {  	s7 =	simm.s32 $0x11100  }
0x88: {  	[tilespmem:s7], [sflag:$0x2] =	stream.indirect_vreg.gather [hbm4b:s5+s3], $0x80, v3, vm0, $0xb8;
	[tilespmem:$0x18100] =	vst v63  }
0x89: {  	s12 =	simm.s32 $0x11900  }
0x8a: {  	[tilespmem:s12], [sflag:$0x2] =	stream.indirect_vreg.gather [hbm4b:s6+s3], $0x80, v3, vm0, $0xb8;
	[tilespmem:$0x18100] =	vst v63  }
0x8b: {  	v3 =	vld [tilespmem:$0x60];
	_ =	sdelay $0x4  }
0x8c: {  	v54 =	vshrl.u32 v3, $0x3  }
0x8d: {  	v4 =	vmul.u32 $0x30, v54  }
0x8e: {  	v3 =	vand.u32 $0x7, v3  }
0x8f: {  	v3 =	vor.u32 v3, v4  }
0x90: {  	v4 =	vperm.xlane v3, v0;
	_ =	sdelay $0x1  }
0x91: {  	v4 =	vadd.s32 v1, v4;
	_ =	sdelay $0x3  }
0x92: {  	s7 =	simm.s32 $0x12100;
	v3 =	vperm.xlane v3, v2  }
0x93: {  	[tilespmem:s7], [sflag:$0x2] =	stream.indirect_vreg.gather [hbm4b:s1+s3], $0x80, v4, vm0, $0xb8;
	[tilespmem:$0x18100] =	vst v63  }
0x94: {  	s12 =	simm.s32 $0x12900;
	v3 =	vadd.s32 v1, v3  }
0x95: {  	[tilespmem:s12], [sflag:$0x2] =	stream.indirect_vreg.gather [hbm4b:s5+s3], $0x80, v4, vm0, $0xb8;
	[tilespmem:$0x18100] =	vst v63  }
0x96: {  	s7 =	simm.s32 $0x13100  }
0x97: {  	[tilespmem:s7], [sflag:$0x2] =	stream.indirect_vreg.gather [hbm4b:s6+s3], $0x80, v4, vm0, $0xb8;
	[tilespmem:$0x18100] =	vst v63  }
0x98: {  	s12 =	simm.s32 $0x13900  }
0x99: {  	[tilespmem:s12], [sflag:$0x2] =	stream.indirect_vreg.gather [hbm4b:s1+s3], $0x80, v3, vm0, $0xb8;
	[tilespmem:$0x18100] =	vst v63  }
0x9a: {  	s7 =	simm.s32 $0x14100  }
0x9b: {  	[tilespmem:s7], [sflag:$0x2] =	stream.indirect_vreg.gather [hbm4b:s5+s3], $0x80, v3, vm0, $0xb8;
	[tilespmem:$0x18100] =	vst v63  }
0x9c: {  	s12 =	simm.s32 $0x14900  }
0x9d: {  	[tilespmem:s12], [sflag:$0x2] =	stream.indirect_vreg.gather [hbm4b:s6+s3], $0x80, v3, vm0, $0xb8;
	[tilespmem:$0x18100] =	vst v63  }
0x9e: {  	v3 =	vld [tilespmem:$0x70];
	_ =	sdelay $0x4  }
0x9f: {  	v55 =	vshrl.u32 v3, $0x3  }
0xa0: {  	v4 =	vmul.u32 $0x30, v55  }
0xa1: {  	v3 =	vand.u32 $0x7, v3  }
0xa2: {  	v3 =	vor.u32 v3, v4  }
0xa3: {  	v4 =	vperm.xlane v3, v0;
	_ =	sdelay $0x1  }
0xa4: {  	v4 =	vadd.s32 v1, v4;
	_ =	sdelay $0x3  }
0xa5: {  	s7 =	simm.s32 $0x15100;
	v3 =	vperm.xlane v3, v2  }
0xa6: {  	[tilespmem:s7], [sflag:$0x2] =	stream.indirect_vreg.gather [hbm4b:s1+s3], $0x80, v4, vm0, $0xb8;
	[tilespmem:$0x18100] =	vst v63  }
0xa7: {  	s12 =	simm.s32 $0x15900;
	v3 =	vadd.s32 v1, v3  }
0xa8: {  	[tilespmem:s12], [sflag:$0x2] =	stream.indirect_vreg.gather [hbm4b:s5+s3], $0x80, v4, vm0, $0xb8;
	[tilespmem:$0x18100] =	vst v63  }
0xa9: {  	s7 =	simm.s32 $0x16100  }
0xaa: {  	[tilespmem:s7], [sflag:$0x2] =	stream.indirect_vreg.gather [hbm4b:s6+s3], $0x80, v4, vm0, $0xb8;
	[tilespmem:$0x18100] =	vst v63  }
0xab: {  	s12 =	simm.s32 $0x16900  }
0xac: {  	[tilespmem:s12], [sflag:$0x2] =	stream.indirect_vreg.gather [hbm4b:s1+s3], $0x80, v3, vm0, $0xb8;
	[tilespmem:$0x18100] =	vst v63  }
0xad: {  	s7 =	simm.s32 $0x17100  }
0xae: {  	[tilespmem:s7], [sflag:$0x2] =	stream.indirect_vreg.gather [hbm4b:s5+s3], $0x80, v3, vm0, $0xb8;
	[tilespmem:$0x18100] =	vst v63  }
0xaf: {  	s0 =	simm.s32 $0x1;
	s12 =	simm.s32 $0x17900  }
0xb0: {  	[tilespmem:s12], [sflag:$0x2] =	stream.indirect_vreg.gather [hbm4b:s6+s3], $0x80, v3, vm0, $0xb8;
	[tilespmem:$0x18100] =	vst v63  }
0xb1: {  	_ =	swait.ge [sflag:s0], $0xC000  }
0xb2: {  	[sflag:s0] =	ssyncset.done $0x0  }
0xb3: {  	s7 =	simm.s32 $0x100;
	s12 =	rddreg [dreg:$0x8];
	[sflag:s0] =	ssyncadd.s32 $0xFFFF4000  }
0xb4: {  	[hbm4b:s12+s3] =	stream.linear.scatter [tilespmem:s7], [sflag:$0x3], $0xC000, $0x38;
	[tilespmem:$0x18100] =	vst v63  }
0xb5: {  	_ =	swait.ge [sflag:s8], $0xC000  }
0xb6: {  	[sflag:s8] =	ssyncset.done $0x0  }
0xb7: {  	[sflag:s8] =	ssyncadd.s32 $0xFFFF4000  }
0xb8: {  	v3 =	vld [tilespmem:$0x80];
	_ =	sdelay $0x4  }
0xb9: {  	v56 =	vshrl.u32 v3, $0x3  }
0xba: {  	v4 =	vmul.u32 $0x30, v56  }
0xbb: {  	v3 =	vand.u32 $0x7, v3  }
0xbc: {  	v3 =	vor.u32 v3, v4  }
0xbd: {  	v4 =	vperm.xlane v3, v0;
	_ =	sdelay $0x1  }
0xbe: {  	v4 =	vadd.s32 v1, v4;
	_ =	sdelay $0x3  }
0xbf: {  	v3 =	vperm.xlane v3, v2  }
0xc0: {  	[tilespmem:s7], [sflag:$0x1] =	stream.indirect_vreg.gather [hbm4b:s1+s3], $0x80, v4, vm0, $0xb8;
	[tilespmem:$0x18100] =	vst v63  }
0xc1: {  	v3 =	vadd.s32 v1, v3  }
0xc2: {  	[tilespmem:s13], [sflag:$0x1] =	stream.indirect_vreg.gather [hbm4b:s5+s3], $0x80, v4, vm0, $0xb8;
	[tilespmem:$0x18100] =	vst v63  }
0xc3: {  	_ = 	snop  }
0xc4: {  	[tilespmem:s14], [sflag:$0x1] =	stream.indirect_vreg.gather [hbm4b:s6+s3], $0x80, v4, vm0, $0xb8;
	[tilespmem:$0x18100] =	vst v63  }
0xc5: {  	_ = 	snop  }
0xc6: {  	[tilespmem:s15], [sflag:$0x1] =	stream.indirect_vreg.gather [hbm4b:s1+s3], $0x80, v3, vm0, $0xb8;
	[tilespmem:$0x18100] =	vst v63  }
0xc7: {  	_ = 	snop  }
0xc8: {  	[tilespmem:s16], [sflag:$0x1] =	stream.indirect_vreg.gather [hbm4b:s5+s3], $0x80, v3, vm0, $0xb8;
	[tilespmem:$0x18100] =	vst v63  }
0xc9: {  	_ = 	snop  }
0xca: {  	[tilespmem:s17], [sflag:$0x1] =	stream.indirect_vreg.gather [hbm4b:s6+s3], $0x80, v3, vm0, $0xb8;
	[tilespmem:$0x18100] =	vst v63  }
0xcb: {  	v3 =	vld [tilespmem:$0x90];
	_ =	sdelay $0x4  }
0xcc: {  	v57 =	vshrl.u32 v3, $0x3  }
0xcd: {  	v4 =	vmul.u32 $0x30, v57  }
0xce: {  	v3 =	vand.u32 $0x7, v3  }
0xcf: {  	v3 =	vor.u32 v3, v4  }
0xd0: {  	v4 =	vperm.xlane v3, v0;
	_ =	sdelay $0x1  }
0xd1: {  	v4 =	vadd.s32 v1, v4;
	_ =	sdelay $0x3  }
0xd2: {  	v3 =	vperm.xlane v3, v2  }
0xd3: {  	[tilespmem:s18], [sflag:$0x1] =	stream.indirect_vreg.gather [hbm4b:s1+s3], $0x80, v4, vm0, $0xb8;
	[tilespmem:$0x18100] =	vst v63  }
0xd4: {  	v3 =	vadd.s32 v1, v3  }
0xd5: {  	[tilespmem:s19], [sflag:$0x1] =	stream.indirect_vreg.gather [hbm4b:s5+s3], $0x80, v4, vm0, $0xb8;
	[tilespmem:$0x18100] =	vst v63  }
0xd6: {  	_ = 	snop  }
0xd7: {  	[tilespmem:s20], [sflag:$0x1] =	stream.indirect_vreg.gather [hbm4b:s6+s3], $0x80, v4, vm0, $0xb8;
	[tilespmem:$0x18100] =	vst v63  }
0xd8: {  	_ = 	snop  }
0xd9: {  	[tilespmem:s21], [sflag:$0x1] =	stream.indirect_vreg.gather [hbm4b:s1+s3], $0x80, v3, vm0, $0xb8;
	[tilespmem:$0x18100] =	vst v63  }
0xda: {  	_ = 	snop  }
0xdb: {  	[tilespmem:s22], [sflag:$0x1] =	stream.indirect_vreg.gather [hbm4b:s5+s3], $0x80, v3, vm0, $0xb8;
	[tilespmem:$0x18100] =	vst v63  }
0xdc: {  	_ = 	snop  }
0xdd: {  	[tilespmem:s23], [sflag:$0x1] =	stream.indirect_vreg.gather [hbm4b:s6+s3], $0x80, v3, vm0, $0xb8;
	[tilespmem:$0x18100] =	vst v63  }
0xde: {  	v3 =	vld [tilespmem:$0xA0];
	_ =	sdelay $0x4  }
0xdf: {  	v58 =	vshrl.u32 v3, $0x3  }
0xe0: {  	v4 =	vmul.u32 $0x30, v58  }
0xe1: {  	v3 =	vand.u32 $0x7, v3  }
0xe2: {  	v3 =	vor.u32 v3, v4  }
0xe3: {  	v4 =	vperm.xlane v3, v0;
	_ =	sdelay $0x1  }
0xe4: {  	v4 =	vadd.s32 v1, v4;
	_ =	sdelay $0x3  }
0xe5: {  	v3 =	vperm.xlane v3, v2  }
0xe6: {  	[tilespmem:s24], [sflag:$0x1] =	stream.indirect_vreg.gather [hbm4b:s1+s3], $0x80, v4, vm0, $0xb8;
	[tilespmem:$0x18100] =	vst v63  }
0xe7: {  	v3 =	vadd.s32 v1, v3  }
0xe8: {  	[tilespmem:s25], [sflag:$0x1] =	stream.indirect_vreg.gather [hbm4b:s5+s3], $0x80, v4, vm0, $0xb8;
	[tilespmem:$0x18100] =	vst v63  }
0xe9: {  	_ = 	snop  }
0xea: {  	[tilespmem:s26], [sflag:$0x1] =	stream.indirect_vreg.gather [hbm4b:s6+s3], $0x80, v4, vm0, $0xb8;
	[tilespmem:$0x18100] =	vst v63  }
0xeb: {  	_ = 	snop  }
0xec: {  	[tilespmem:s28], [sflag:$0x1] =	stream.indirect_vreg.gather [hbm4b:s1+s3], $0x80, v3, vm0, $0xb8;
	[tilespmem:$0x18100] =	vst v63  }
0xed: {  	_ = 	snop  }
0xee: {  	[tilespmem:s29], [sflag:$0x1] =	stream.indirect_vreg.gather [hbm4b:s5+s3], $0x80, v3, vm0, $0xb8;
	[tilespmem:$0x18100] =	vst v63  }
0xef: {  	_ = 	snop  }
0xf0: {  	[tilespmem:s30], [sflag:$0x1] =	stream.indirect_vreg.gather [hbm4b:s6+s3], $0x80, v3, vm0, $0xb8;
	[tilespmem:$0x18100] =	vst v63  }
0xf1: {  	v3 =	vld [tilespmem:$0xB0];
	_ =	sdelay $0x4  }
0xf2: {  	v59 =	vshrl.u32 v3, $0x3  }
0xf3: {  	v4 =	vmul.u32 $0x30, v59  }
0xf4: {  	v3 =	vand.u32 $0x7, v3  }
0xf5: {  	v3 =	vor.u32 v3, v4  }
0xf6: {  	v4 =	vperm.xlane v3, v0;
	_ =	sdelay $0x1  }
0xf7: {  	v4 =	vadd.s32 v1, v4;
	_ =	sdelay $0x3  }
0xf8: {  	v3 =	vperm.xlane v3, v2  }
0xf9: {  	[tilespmem:s31], [sflag:$0x1] =	stream.indirect_vreg.gather [hbm4b:s1+s3], $0x80, v4, vm0, $0xb8;
	[tilespmem:$0x18100] =	vst v63  }
0xfa: {  	v3 =	vadd.s32 v1, v3  }
0xfb: {  	[tilespmem:s2], [sflag:$0x1] =	stream.indirect_vreg.gather [hbm4b:s5+s3], $0x80, v4, vm0, $0xb8;
	[tilespmem:$0x18100] =	vst v63  }
0xfc: {  	s7 =	simm.s32 $0xA100  }
0xfd: {  	[tilespmem:s7], [sflag:$0x1] =	stream.indirect_vreg.gather [hbm4b:s6+s3], $0x80, v4, vm0, $0xb8;
	[tilespmem:$0x18100] =	vst v63  }
0xfe: {  	_ = 	snop  }
0xff: {  	[tilespmem:s9], [sflag:$0x1] =	stream.indirect_vreg.gather [hbm4b:s1+s3], $0x80, v3, vm0, $0xb8;
	[tilespmem:$0x18100] =	vst v63  }
0x100: {  	s12 =	simm.s32 $0xB100  }
0x101: {  	[tilespmem:s12], [sflag:$0x1] =	stream.indirect_vreg.gather [hbm4b:s5+s3], $0x80, v3, vm0, $0xb8;
	[tilespmem:$0x18100] =	vst v63  }
0x102: {  	s2 =	simm.s32 $0x2  }
0x103: {  	[tilespmem:s10], [sflag:$0x1] =	stream.indirect_vreg.gather [hbm4b:s6+s3], $0x80, v3, vm0, $0xb8;
	[tilespmem:$0x18100] =	vst v63  }
0x104: {  	_ =	swait.ge [sflag:s2], $0xC000  }
0x105: {  	[sflag:s2] =	ssyncset.done $0x0  }
0x106: {  	s7 =	rddreg [dreg:$0x5];
	[sflag:s2] =	ssyncadd.s32 $0xFFFF4000  }
0x107: {  	[hbm4b:s7+s3] =	stream.linear.scatter [tilespmem:s11], [sflag:$0x3], $0xC000, $0x38;
	[tilespmem:$0x18100] =	vst v63  }
0x108: {  	_ =	swait.ge [sflag:s8], $0xC000  }
0x109: {  	[sflag:s8] =	ssyncset.done $0x0  }
0x10a: {  	[sflag:s8] =	ssyncadd.s32 $0xFFFF4000  }
0x10b: {  	v3 =	vld [tilespmem:$0xC0];
	_ =	sdelay $0x4  }
0x10c: {  	v60 =	vshrl.u32 v3, $0x3  }
0x10d: {  	v4 =	vmul.u32 $0x30, v60  }
0x10e: {  	v3 =	vand.u32 $0x7, v3  }
0x10f: {  	v3 =	vor.u32 v3, v4  }
0x110: {  	v4 =	vperm.xlane v3, v0;
	_ =	sdelay $0x1  }
0x111: {  	v4 =	vadd.s32 v1, v4;
	_ =	sdelay $0x3  }
0x112: {  	v3 =	vperm.xlane v3, v2  }
0x113: {  	[tilespmem:s11], [sflag:$0x2] =	stream.indirect_vreg.gather [hbm4b:s1+s3], $0x80, v4, vm0, $0xb8;
	[tilespmem:$0x18100] =	vst v63  }
0x114: {  	s12 =	simm.s32 $0xC900;
	v3 =	vadd.s32 v1, v3  }
0x115: {  	[tilespmem:s12], [sflag:$0x2] =	stream.indirect_vreg.gather [hbm4b:s5+s3], $0x80, v4, vm0, $0xb8;
	[tilespmem:$0x18100] =	vst v63  }
0x116: {  	s12 =	simm.s32 $0xD100  }
0x117: {  	[tilespmem:s12], [sflag:$0x2] =	stream.indirect_vreg.gather [hbm4b:s6+s3], $0x80, v4, vm0, $0xb8;
	[tilespmem:$0x18100] =	vst v63  }
0x118: {  	s12 =	simm.s32 $0xD900  }
0x119: {  	[tilespmem:s12], [sflag:$0x2] =	stream.indirect_vreg.gather [hbm4b:s1+s3], $0x80, v3, vm0, $0xb8;
	[tilespmem:$0x18100] =	vst v63  }
0x11a: {  	s12 =	simm.s32 $0xE100  }
0x11b: {  	[tilespmem:s12], [sflag:$0x2] =	stream.indirect_vreg.gather [hbm4b:s5+s3], $0x80, v3, vm0, $0xb8;
	[tilespmem:$0x18100] =	vst v63  }
0x11c: {  	s12 =	simm.s32 $0xE900  }
0x11d: {  	[tilespmem:s12], [sflag:$0x2] =	stream.indirect_vreg.gather [hbm4b:s6+s3], $0x80, v3, vm0, $0xb8;
	[tilespmem:$0x18100] =	vst v63  }
0x11e: {  	v3 =	vld [tilespmem:$0xD0];
	_ =	sdelay $0x4  }
0x11f: {  	v61 =	vshrl.u32 v3, $0x3  }
0x120: {  	v4 =	vmul.u32 $0x30, v61  }
0x121: {  	v3 =	vand.u32 $0x7, v3  }
0x122: {  	v3 =	vor.u32 v3, v4  }
0x123: {  	v4 =	vperm.xlane v3, v0;
	_ =	sdelay $0x1  }
0x124: {  	v4 =	vadd.s32 v1, v4;
	_ =	sdelay $0x3  }
0x125: {  	s12 =	simm.s32 $0xF100;
	v3 =	vperm.xlane v3, v2  }
0x126: {  	[tilespmem:s12], [sflag:$0x2] =	stream.indirect_vreg.gather [hbm4b:s1+s3], $0x80, v4, vm0, $0xb8;
	[tilespmem:$0x18100] =	vst v63  }
0x127: {  	v3 =	vadd.s32 v1, v3;
	s12 =	simm.s32 $0xF900  }
0x128: {  	[tilespmem:s12], [sflag:$0x2] =	stream.indirect_vreg.gather [hbm4b:s5+s3], $0x80, v4, vm0, $0xb8;
	[tilespmem:$0x18100] =	vst v63  }
0x129: {  	s12 =	simm.s32 $0x10100  }
0x12a: {  	[tilespmem:s12], [sflag:$0x2] =	stream.indirect_vreg.gather [hbm4b:s6+s3], $0x80, v4, vm0, $0xb8;
	[tilespmem:$0x18100] =	vst v63  }
0x12b: {  	s12 =	simm.s32 $0x10900  }
0x12c: {  	[tilespmem:s12], [sflag:$0x2] =	stream.indirect_vreg.gather [hbm4b:s1+s3], $0x80, v3, vm0, $0xb8;
	[tilespmem:$0x18100] =	vst v63  }
0x12d: {  	s12 =	simm.s32 $0x11100  }
0x12e: {  	[tilespmem:s12], [sflag:$0x2] =	stream.indirect_vreg.gather [hbm4b:s5+s3], $0x80, v3, vm0, $0xb8;
	[tilespmem:$0x18100] =	vst v63  }
0x12f: {  	s12 =	simm.s32 $0x11900  }
0x130: {  	[tilespmem:s12], [sflag:$0x2] =	stream.indirect_vreg.gather [hbm4b:s6+s3], $0x80, v3, vm0, $0xb8;
	[tilespmem:$0x18100] =	vst v63  }
0x131: {  	v3 =	vld [tilespmem:$0xE0];
	_ =	sdelay $0x4  }
0x132: {  	v62 =	vshrl.u32 v3, $0x3  }
0x133: {  	v4 =	vmul.u32 $0x30, v62  }
0x134: {  	v3 =	vand.u32 $0x7, v3  }
0x135: {  	v3 =	vor.u32 v3, v4  }
0x136: {  	v4 =	vperm.xlane v3, v0;
	_ =	sdelay $0x1  }
0x137: {  	v4 =	vadd.s32 v1, v4;
	_ =	sdelay $0x3  }
0x138: {  	s12 =	simm.s32 $0x12100;
	v3 =	vperm.xlane v3, v2  }
0x139: {  	[tilespmem:s12], [sflag:$0x2] =	stream.indirect_vreg.gather [hbm4b:s1+s3], $0x80, v4, vm0, $0xb8;
	[tilespmem:$0x18100] =	vst v63  }
0x13a: {  	v3 =	vadd.s32 v1, v3;
	s12 =	simm.s32 $0x12900  }
0x13b: {  	[tilespmem:s12], [sflag:$0x2] =	stream.indirect_vreg.gather [hbm4b:s5+s3], $0x80, v4, vm0, $0xb8;
	[tilespmem:$0x18100] =	vst v63  }
0x13c: {  	s12 =	simm.s32 $0x13100  }
0x13d: {  	[tilespmem:s12], [sflag:$0x2] =	stream.indirect_vreg.gather [hbm4b:s6+s3], $0x80, v4, vm0, $0xb8;
	[tilespmem:$0x18100] =	vst v63  }
0x13e: {  	s12 =	simm.s32 $0x13900  }
0x13f: {  	[tilespmem:s12], [sflag:$0x2] =	stream.indirect_vreg.gather [hbm4b:s1+s3], $0x80, v3, vm0, $0xb8;
	[tilespmem:$0x18100] =	vst v63  }
0x140: {  	s12 =	simm.s32 $0x14100  }
0x141: {  	[tilespmem:s12], [sflag:$0x2] =	stream.indirect_vreg.gather [hbm4b:s5+s3], $0x80, v3, vm0, $0xb8;
	[tilespmem:$0x18100] =	vst v63  }
0x142: {  	s12 =	simm.s32 $0x14900  }
0x143: {  	[tilespmem:s12], [sflag:$0x2] =	stream.indirect_vreg.gather [hbm4b:s6+s3], $0x80, v3, vm0, $0xb8;
	[tilespmem:$0x18100] =	vst v63  }
0x144: {  	v3 =	vld [tilespmem:$0xF0];
	_ =	sdelay $0x4  }
0x145: {  	v63 =	vshrl.u32 v3, $0x3  }
0x146: {  	v4 =	vmul.u32 $0x30, v63  }
0x147: {  	v3 =	vand.u32 $0x7, v3  }
0x148: {  	v3 =	vor.u32 v3, v4  }
0x149: {  	v4 =	vperm.xlane v3, v0;
	_ =	sdelay $0x1  }
0x14a: {  	v4 =	vadd.s32 v1, v4;
	_ =	sdelay $0x3  }
0x14b: {  	s12 =	simm.s32 $0x15100;
	v3 =	vperm.xlane v3, v2  }
0x14c: {  	[tilespmem:s12], [sflag:$0x2] =	stream.indirect_vreg.gather [hbm4b:s1+s3], $0x80, v4, vm0, $0xb8;
	[tilespmem:$0x18100] =	vst v63  }
0x14d: {  	v3 =	vadd.s32 v1, v3;
	s12 =	simm.s32 $0x15900  }
0x14e: {  	[tilespmem:s12], [sflag:$0x2] =	stream.indirect_vreg.gather [hbm4b:s5+s3], $0x80, v4, vm0, $0xb8;
	[tilespmem:$0x18100] =	vst v63  }
0x14f: {  	s12 =	simm.s32 $0x16100  }
0x150: {  	[tilespmem:s12], [sflag:$0x2] =	stream.indirect_vreg.gather [hbm4b:s6+s3], $0x80, v4, vm0, $0xb8;
	[tilespmem:$0x18100] =	vst v63  }
0x151: {  	s12 =	simm.s32 $0x16900  }
0x152: {  	[tilespmem:s12], [sflag:$0x2] =	stream.indirect_vreg.gather [hbm4b:s1+s3], $0x80, v3, vm0, $0xb8;
	[tilespmem:$0x18100] =	vst v63  }
0x153: {  	s12 =	simm.s32 $0x17100  }
0x154: {  	[tilespmem:s12], [sflag:$0x2] =	stream.indirect_vreg.gather [hbm4b:s5+s3], $0x80, v3, vm0, $0xb8;
	[tilespmem:$0x18100] =	vst v63  }
0x155: {  	s12 =	simm.s32 $0x17900  }
0x156: {  	[tilespmem:s12], [sflag:$0x2] =	stream.indirect_vreg.gather [hbm4b:s6+s3], $0x80, v3, vm0, $0xb8;
	[tilespmem:$0x18100] =	vst v63  }
0x157: {  	_ =	swait.ge [sflag:s0], $0xC000  }
0x158: {  	[sflag:s0] =	ssyncset.done $0x0  }
0x159: {  	s7 =	simm.s32 $0x100;
	s12 =	rddreg [dreg:$0x6];
	[sflag:s0] =	ssyncadd.s32 $0xFFFF4000  }
0x15a: {  	[hbm4b:s12+s3] =	stream.linear.scatter [tilespmem:s7], [sflag:$0x3], $0xC000, $0x38;
	[tilespmem:$0x18100] =	vst v63  }
0x15b: {  	_ =	swait.ge [sflag:s8], $0xC000  }
0x15c: {  	[sflag:s8] =	ssyncset.done $0x0  }
0x15d: {  	[sflag:s8] =	ssyncadd.s32 $0xFFFF4000  }
0x15e: {  	_ =	swait.ge [sflag:s2], $0xC000  }
0x15f: {  	p0 =	sne.s32 s4, $0x1;
	[sflag:s2] =	ssyncset.done $0x0  }
.Ltmp0:
0x160: {  	s7 =	rddreg [dreg:$0x7];
	[sflag:s2] =	ssyncadd.s32 $0xFFFF4000;
	(pc) =	sbr.rel @p0 .LBB2_1-.Ltmp0, $4  }
0x161: {  	[hbm4b:s7+s3] =	stream.linear.scatter [tilespmem:s11], [sflag:$0x3], $0xC000, $0x38;
	[tilespmem:$0x18100] =	vst v63  }
0x162: {  	_ =	swait.ge [sflag:s8], $0xC000  }
0x163: {  	[sflag:s8] =	ssyncset.done $0x0  }
0x164: {  	s4 =	sadd.s32 $0xFFFFFFFF, s4;
	[sflag:s8] =	ssyncadd.s32 $0xFFFF4000  }
0x165: {  	_ =	sfence.sel $0x180000  }
0x166: {  	[bflag:$0x0] =	sbarrier.arrive $0xFFFF  }
0x167: {  	_ =	strace $0x9000004A  }
0x168: {  	s0 =	stileid.u32;
	[bflag:$0x2] =	sbarrier.arrive $0xFFFF  }
0x169: {  	p0 =	sne.s32 s0, $0x0;
	s0 =	rddreg [dreg:$0x3]  }
0x16a: {  	s0 =	sadd.s32 @!p0 $0x100000, s0  }
0x16b: {  	[sflag:s0] =	ssyncadd.tile.s32 @!p0 $0x1;
	_ =	shalt  }
.Lfunc_end2:
_tile_overlayer_lowered:
.L_overlay_start_2:
0x16c: {  	(tag) =	ssettag $0x2  }
0x16d: {  	s0 =	rddreg [dreg:$0x0];
	s2 =	stileid.u32  }
0x16e: {  	s1 =	rddreg [dreg:$0x1];
	p0 =	sne.s32 s2, $0x0  }
0x16f: {  	s3 =	rddreg [dreg:$0x2];
	[bflag:$0x3] =	sbarrier.arrive $0xFFFF;
	s2 =	simm.s32 @!p0 $0x1C03  }
0x170: {  	[timem:s3], [sflag:s2] =	dma.local @!p0 [hbm:s0], s1  }
0x171: {  	s0 =	simm.s32 @!p0 $0x3  }
0x172: {  	_ =	swait.ge @!p0 [sflag:s0], s1  }
0x173: {  	s1 =	ssub.s32 @!p0 $0x0, s1;
	[sflag:s0] =	ssyncset.done @!p0 $0x0  }
0x174: {  	[sflag:s0] =	ssyncadd.s32 @!p0 s1  }
0x175: {  	[bflag:$0x3] =	sbarrier.arrive $0xFFFF  }
0x176: {  	_ =	shalt  }

// kernel: kernel.8.cloned.1.call-start
scs
__scs_entry_jumppad:
0x0: {  	(pc) =	sbr.rel $0x88, $3  }
0x1: {  	(tag) =	ssettag $0x0;
	lr =	simm.s32 $0x1  }
0x2: {  	[smem:$0x3F9C] =	sst lr;
	_ =	strace $0xD0000000  }
0x3: {  	_ = 	snop  }
0x4: {  	_ = 	snop  }
0x5: {  	_ = 	snop  }
0x6: {  	_ = 	snop  }
0x7: {  	_ = 	snop  }
__scs_overlays_trampoline_lowered:
0x8: {  	[smem:$0x3FAB] =	sst s0  }
0x9: {  	[smem:$0x3FAC] =	sst s1  }
0xa: {  	[smem:$0x3FAD] =	sst s2  }
0xb: {  	[smem:$0x3FAE] =	sst s3  }
0xc: {  	[smem:$0x3FAF] =	sst s4  }
0xd: {  	[smem:$0x3FB0] =	sst s5  }
0xe: {  	[smem:$0x3FB1] =	sst s6  }
0xf: {  	[smem:$0x3FB2] =	sst s7  }
0x10: {  	[smem:$0x3FB3] =	sst s8  }
0x11: {  	[smem:$0x3FB4] =	sst s9;
	s0 =	simm.s32 @!p0 $0x0  }
0x12: {  	s1 =	sld [smem:$0x3F9A];
	s0 =	simm.s32 @p0 $0x1  }
0x13: {  	[smem:$0x3FB5] =	sst s0;
	s0 =	simm.s32 @!p1 $0x0  }
0x14: {  	s2 =	sld [smem:$0x3F99];
	s0 =	simm.s32 @p1 $0x1  }
0x15: {  	[smem:$0x3FB6] =	sst s0;
	s0 =	simm.s32 @!p2 $0x0  }
0x16: {  	s3 =	sld [smem:$0x3FDB];
	s0 =	simm.s32 @p2 $0x1  }
0x17: {  	s4 =	simm.s32 $0x1BF5;
	[smem:$0x3FB8] =	sst s0  }
0x18: {  	s0 =	sld [smem:$0x3F9B];
	_ =	swait.ge [sflag:s4], $0x0  }
0x19: {  	s7 =	sld [smem:$0x3F9C]  }
0x1a: {  	s8 =	sadd.s32 $0xFFFFE003, lr  }
0x1b: {  	s9 =	sadd.s32 $0xFFFFFEF7, lr;
	s5 =	simm.s32 $0xFFFFFFFF;
	p2 =	slt.u32 s8, $0xFFFFF086  }
0x1c: {  	p1 =	slt.u32 s9, $0xF7A;
	s5 =	simm.s32 @!p2 $0x0  }
0x1d: {  	s5 =	simm.s32 @p1 $0x1;
	p0 =	seq.s32 s7, s2  }
0x1e: {  	s7 =	smul.u32 @!p0 $0xF7A, s2;
	p2 =	seq.s32 @!p0 s5, $0x0  }
0x1f: {  	s9 =	smul.u32 $0xF7A, s1;
	s8 =	simm.s32 @!p0 $0x1BF5;
	p2 =	por !p2, p0  }
0x20: {  	[sflag:s8] =	ssyncset.s32 @!p0 $0xFFFFF086;
	s6 =	sadd.s32 @!p0 s3, s7;
	s7 =	simm.s32 @!p0 $0x108  }
0x21: {  	s3 =	sadd.s32 s3, s9;
	s6 =	sadd.s32 @!p0 $0x88, s6;
	s7 =	simm.s32 @p2 $0x1082  }
0x22: {  	[simem:s7], [sflag:s8] =	dma.local @!p0 [hbm:s6], $0xF7A  }
0x23: {  	s9 =	sor.u32 $0xD0000000, s2;
	s6 =	simm.s32 $0x108;
	_ =	swait.ge @!p0 [sflag:s8], $0x0  }
0x24: {  	s3 =	sadd.s32 $0x88, s3;
	s6 =	simm.s32 @!p1 $0x1082;
	[sflag:s4] =	ssyncset.s32 $0xFFFFF086  }
0x25: {  	[simem:s6], [sflag:s4] =	dma.local [hbm:s3], $0xF7A  }
0x26: {  	[smem:$0x3F9C] =	sst s1;
	(tag) =	ssettag s2;
	_ =	strace s9  }
0x27: {  	s1 =	sld [smem:$0x3FAC]  }
0x28: {  	s2 =	sld [smem:$0x3FAD]  }
0x29: {  	s4 =	sld [smem:$0x3FAF]  }
0x2a: {  	p0 =	seq.s32 s5, $0x0;
	s5 =	sld [smem:$0x3FB0]  }
0x2b: {  	s6 =	sld [smem:$0x3FB1]  }
0x2c: {  	s7 =	sld [smem:$0x3FB2]  }
0x2d: {  	s3 =	simm.s32 $0x108;
	s8 =	sld [smem:$0x3FB3]  }
0x2e: {  	s3 =	simm.s32 @!p0 $0x1082;
	s9 =	sld [smem:$0x3FB4]  }
0x2f: {  	lr =	sadd.s32 s0, s3;
	s0 =	sld [smem:$0x3FAB]  }
0x30: {  	s3 =	sld [smem:$0x3FAE]  }
0x31: {  	[smem:$0x3FB7] =	sst s10  }
0x32: {  	s10 =	sld [smem:$0x3FB5];
	_ =	sdelay $0x3  }
0x33: {  	p0 =	seq.s32 s10, $0x1;
	s10 =	sld [smem:$0x3FB7];
	_ =	sdelay $0x3  }
0x34: {  	[smem:$0x3FB7] =	sst s10  }
0x35: {  	s10 =	sld [smem:$0x3FB6];
	_ =	sdelay $0x3  }
0x36: {  	p1 =	seq.s32 s10, $0x1;
	s10 =	sld [smem:$0x3FB7];
	_ =	sdelay $0x3  }
0x37: {  	[smem:$0x3FB7] =	sst s10  }
0x38: {  	s10 =	sld [smem:$0x3FB8]  }
0x39: {  	_ = 	snop;
	(pc) =	sbr.ind lr, $3  }
0x3a: {  	_ = 	snop  }
0x3b: {  	_ = 	snop  }
0x3c: {  	p2 =	seq.s32 s10, $0x1;
	s10 =	sld [smem:$0x3FB7]  }
0x3d: {  	_ =	shalt  }
0x3e: {  	_ =	shalt  }
0x3f: {  	_ =	shalt  }
0x40: {  	_ =	shalt  }
0x41: {  	_ =	shalt  }
0x42: {  	_ =	shalt  }
0x43: {  	_ =	shalt  }
0x44: {  	_ =	shalt  }
0x45: {  	_ =	shalt  }
0x46: {  	_ =	shalt  }
0x47: {  	_ =	shalt  }
0x48: {  	_ =	shalt  }
0x49: {  	_ =	shalt  }
0x4a: {  	_ =	shalt  }
0x4b: {  	_ =	shalt  }
0x4c: {  	_ =	shalt  }
0x4d: {  	_ =	shalt  }
0x4e: {  	_ =	shalt  }
0x4f: {  	_ =	shalt  }
0x50: {  	_ =	shalt  }
0x51: {  	_ =	shalt  }
0x52: {  	_ =	shalt  }
0x53: {  	_ =	shalt  }
0x54: {  	_ =	shalt  }
0x55: {  	_ =	shalt  }
0x56: {  	_ =	shalt  }
0x57: {  	_ =	shalt  }
0x58: {  	_ =	shalt  }
0x59: {  	_ =	shalt  }
0x5a: {  	_ =	shalt  }
0x5b: {  	_ =	shalt  }
0x5c: {  	_ =	shalt  }
0x5d: {  	_ =	shalt  }
0x5e: {  	_ =	shalt  }
0x5f: {  	_ =	shalt  }
0x60: {  	_ =	shalt  }
0x61: {  	_ =	shalt  }
0x62: {  	_ =	shalt  }
0x63: {  	_ =	shalt  }
0x64: {  	_ =	shalt  }
0x65: {  	_ =	shalt  }
0x66: {  	_ =	shalt  }
0x67: {  	_ =	shalt  }
0x68: {  	_ =	shalt  }
0x69: {  	_ =	shalt  }
0x6a: {  	_ =	shalt  }
0x6b: {  	_ =	shalt  }
0x6c: {  	_ =	shalt  }
0x6d: {  	_ =	shalt  }
0x6e: {  	_ =	shalt  }
0x6f: {  	_ =	shalt  }
0x70: {  	_ =	shalt  }
0x71: {  	_ =	shalt  }
0x72: {  	_ =	shalt  }
0x73: {  	_ =	shalt  }
0x74: {  	_ =	shalt  }
0x75: {  	_ =	shalt  }
0x76: {  	_ =	shalt  }
0x77: {  	_ =	shalt  }
0x78: {  	_ =	shalt  }
0x79: {  	_ =	shalt  }
0x7a: {  	_ =	shalt  }
0x7b: {  	_ =	shalt  }
0x7c: {  	_ =	shalt  }
0x7d: {  	_ =	shalt  }
0x7e: {  	_ =	shalt  }
0x7f: {  	_ =	shalt  }
0x80: {  	_ =	shalt  }
0x81: {  	_ =	shalt  }
0x82: {  	_ =	shalt  }
0x83: {  	_ =	shalt  }
0x84: {  	_ =	shalt  }
0x85: {  	_ =	shalt  }
0x86: {  	_ =	shalt  }
0x87: {  	_ =	shalt  }
.Lfunc_end0:
.L_simem_size_0:
called_computation.2_lowered:
.L_overlay_start_0:
0x88: {  	s2 =	sld [smem:$0x3FD9]  }
0x89: {  	s3 =	sld [smem:$0x3FFE];
	_ =	sdelay $0x1  }
0x8a: {  	s1 =	srdreg.scid  }
0x8b: {  	s0 =	sand.u32 $0x1, s1  }
0x8c: {  	s17 =	sshll.u32 s0, $0xA;
	s2 =	sadd.s32 s3, s2  }
0x8d: {  	s2 =	sadd.s32 s2, s17  }
0x8e: {  	[smem:$0x3FC3] =	sst s2  }
0x8f: {  	_ = 	snop  }
0x90: {  	s2 =	sld [smem:$0x3FD0];
	(tm) =	ssettm $0x1  }
0x91: {  	s18 =	sld [smem:$0x3FFB];
	_ =	sdelay $0x3  }
0x92: {  	_ =	strace s18  }
0x93: {  	s3 =	sld [smem:$0x3FFC];
	_ =	sdelay $0x3  }
0x94: {  	_ =	strace s3  }
0x95: {  	s3 =	sld [smem:$0x3FFD];
	_ =	sdelay $0x3  }
0x96: {  	_ =	strace s3  }
0x97: {  	_ =	strace $0x8FFFFFFF  }
0x98: {  	s19 =	sld [smem:$0x3FDB];
	_ =	sdelay $0x1  }
0x99: {  	s4 =	simm.s32 $_scs_section_size  }
0x9a: {  	s5 =	simm.s32 $_size__tile_overlayer_lowered;
	s6 =	simm.s32 $_tile_overlayer_lowered  }
0x9b: {  	s22 =	simm.s32 $0x1BFF;
	s21 =	sshll.u32 s6, $0x1;
	s3 =	sadd.s32 s4, s19  }
0x9c: {  	s7 =	simm.s32 $0x0;
	s20 =	sshll.u32 s5, $0x1;
	s5 =	sadd.s32 s21, s3  }
0x9d: {  	[timem:s7], [sflag:s22] =	dma.local [hbm:s5], s20  }
0x9e: {  	_ =	swait.ge [sflag:s22], s20  }
0x9f: {  	s4 =	ssub.s32 $0x0, s20;
	[sflag:s22] =	ssyncset.done $0x0  }
0xa0: {  	[sflag:s22] =	ssyncadd.s32 s4;
	_ =	sdelay $0x1  }
0xa1: {  	s23 =	simm.s32 $0x1B8B  }
0xa2: {  	_ =	swait.ge [sflag:s23], $0x1  }
0xa3: {  	[sflag:s23] =	ssyncset.done $0x0  }
0xa4: {  	s25 =	simm.s32 $0x1B8E;
	s24 =	sld [smem:$0x3FFE];
	[sflag:s23] =	ssyncadd.s32 $0xFFFFFFFF  }
0xa5: {  	s26 =	simm.s32 $execute0_lowered;
	[smem:$0x3FD2] =	sst s25  }
0xa6: {  	s5 =	sshll.u32 s26, $0x1;
	_ =	strace $0x8000004C;
	[dreg:$0x1] =	wrdreg $0xFFFFFFFF  }
0xa7: {  	s28 =	simm.s32 $_size_execute0_lowered;
	s3 =	sadd.s32 s3, s5;
	[dreg:$0x0] =	wrdreg $0x0  }
0xa8: {  	s5 =	sshll.u32 s28, $0x1;
	[dreg:$0x2] =	wrdreg s3  }
0xa9: {  	[dreg:$0x3] =	wrdreg s5  }
0xaa: {  	[dreg:$0x4] =	wrdreg $0xC0  }
0xab: {  	_ =	task [dreg:s7], $0x5FFFF  }
0xac: {  	[dreg:$0x1] =	wrdreg $0xFFFFFFFF  }
0xad: {  	[dreg:$0x0] =	wrdreg $0x60  }
0xae: {  	[dreg:$0x2] =	wrdreg s24  }
0xaf: {  	[dreg:$0x3] =	wrdreg s2  }
0xb0: {  	[dreg:$0x4] =	wrdreg $0x9  }
0xb1: {  	_ =	task.clear_ibuf [dreg:s7], $0x5FFFF;
	_ =	strace $0x9000004C  }
0xb2: {  	s29 =	simm.s32 $0x9;
	_ =	strace $0x8000004E  }
0xb3: {  	_ =	swait.ge [sflag:s29], $0x1  }
0xb4: {  	[sflag:s29] =	ssyncadd.s32 $0xFFFFFFFF  }
0xb5: {  	_ =	strace $0x9000004E  }
0xb6: {  	_ =	sfence  }
0xb7: {  	s30 =	sld [smem:$0x0];
	_ =	sdelay $0x2  }
0xb8: {  	s31 =	sshll.u32 s1, $0xD;
	s1 =	sshrl.u32 s1, $0x2  }
0xb9: {  	s3 =	sand.u32 $0x4000, s31;
	s1 =	sadd.s32 s1, s30  }
0xba: {  	s0 =	sor.u32 s3, s0;
	s1 =	sshll.u32 s1, $0x11  }
0xbb: {  	s0 =	sor.u32 s1, s0  }
0xbc: {  	s0 =	sadd.s32 $0x8F2B, s0  }
0xbd: {  	[sflag:s0] =	ssyncadd.remote.s32 $0x1  }
0xbe: {  	_ =	sfence.sel $0xFFFF  }
0xbf: {  	[dreg:$0x0] =	wrdreg $0xFFFFFFFF;
	(pc) =	sbr.abs _section_cstart, $3  }
0xc0: {  	[dreg:$0x1] =	wrdreg $0xFFFFFFFF  }
0xc1: {  	_ =	task.clear_ibuf [dreg:s7], $0x2FFFF;
	_ =	strace $0x9FFFFFFF  }
0xc2: {  	(tm) =	ssettm $0x7FFFFFFF  }
0xc3: {  	_ =	shalt  }
tec
execute0_lowered:
.L_overlay_start_1:
0x0: {  	(tag) =	ssettag $0x1  }
0x1: {  	s0 =	srdreg.scid;
	s1 =	rddreg [dreg:$0x0]  }
0x2: {  	s2 =	stileid.u32;
	s4 =	rddreg [dreg:$0x1]  }
0x3: {  	s13 =	simm.s32 $0x900;
	s14 =	simm.s32 $0x1100;
	s15 =	simm.s32 $0x1900  }
0x4: {  	s16 =	simm.s32 $0x2100;
	s17 =	simm.s32 $0x2900;
	s18 =	simm.s32 $0x3100  }
0x5: {  	s19 =	simm.s32 $0x3900;
	s20 =	simm.s32 $0x4100;
	s21 =	simm.s32 $0x4900  }
0x6: {  	s22 =	simm.s32 $0x5100;
	s23 =	simm.s32 $0x5900;
	s24 =	simm.s32 $0x6100  }
0x7: {  	s28 =	simm.s32 $0x7900;
	s29 =	simm.s32 $0x8100;
	s30 =	simm.s32 $0x8900  }
0x8: {  	s31 =	simm.s32 $0x9100;
	s10 =	simm.s32 $0xB900;
	s0 =	sand.u32 $0x1, s0  }
0x9: {  	s3 =	sshll.u32 s2, $0x6;
	s2 =	simm.s32 $0x0;
	s5 =	sshll.u32 s0, $0x5  }
0xa: {  	s11 =	simm.s32 $0xC100;
	[smem:$0x7FF] =	sst s2;
	s5 =	sor.u32 s5, s3  }
0xb: {  	s0 =	ssub.s32 $0x2, s0;
	_ =	strace $0x8000004D;
	s6 =	smul.u32 $0x300, s5  }
0xc: {  	s8 =	sshrl.u32 s0, $0x1;
	s7 =	smul.u32 $0x1800, s5;
	s5 =	sadd.s32 s5, s1  }
0xd: {  	s3 =	sadd.s32 $0x1400, s1;
	s0 =	ssub.s32 s0, s8;
	s5 =	sadd.s32 $0x1000, s5  }
0xe: {  	s8 =	simm.s32 $0x3;
	s9 =	sadd.s32 s4, s6;
	[dreg:$0x3] =	wrdreg s5  }
0xf: {  	s25 =	sshrl.u32 s7, $0x3;
	s5 =	sadd.s32 $0x1500, s1;
	[dreg:$0x7] =	wrdreg s9  }
0x10: {  	s26 =	sadd.s32 $0x1800, s9;
	s4 =	sadd.s32 s4, s25;
	s25 =	simm.s32 $0x6900  }
0x11: {  	v2 =	vlaneseq.u32;
	s9 =	simm.s32 $0xA900;
	[dreg:$0x4] =	wrdreg s26;
	s6 =	sadd.s32 $0x3000, s4  }
0x12: {  	vm0 =	vmmov $0xffff;
	v1 =	vshrl.u32 v2, $0x3;
	s4 =	sadd.s32 $0x4800, s4;
	s26 =	simm.s32 $0x7100;
	[dreg:$0x5] =	wrdreg s6  }
0x13: {  	v0 =	vand.u32 $0x7, v2;
	v2 =	vor.u32 $0x8, v2;
	v1 =	vmul.u32 $0x8, v1;
	s6 =	sadd.s32 $0x1600, s1;
	[dreg:$0x6] =	wrdreg s4;
	s4 =	smax.u32 s0, $0x1  }
.LBB2_1:
0x14: {  	s12 =	rddreg [dreg:$0x3]  }
0x15: {  	[tilespmem:s2], [sflag:$0x3] =	stream.linear.gather [hbm4b:s12+s2], $0x100, $0x38;
	[tilespmem:$0x18100] =	vst v63  }
0x16: {  	_ =	swait.ge [sflag:s8], $0x100  }
0x17: {  	[sflag:s8] =	ssyncset.done $0x0  }
0x18: {  	[sflag:s8] =	ssyncadd.s32 $0xFFFFFF00  }
0x19: {  	v3 =	vld [tilespmem:$0x0];
	_ =	sdelay $0x4  }
0x1a: {  	v4 =	vshrl.u32 v3, $0x3  }
0x1b: {  	v4 =	vmul.u32 $0x30, v4  }
0x1c: {  	v3 =	vand.u32 $0x7, v3  }
0x1d: {  	v3 =	vor.u32 v3, v4  }
0x1e: {  	v4 =	vperm.xlane v3, v0;
	_ =	sdelay $0x1  }
0x1f: {  	v4 =	vadd.s32 v1, v4;
	_ =	sdelay $0x3  }
0x20: {  	s0 =	simm.s32 $0x100;
	v3 =	vperm.xlane v3, v2  }
0x21: {  	[tilespmem:s0], [sflag:$0x1] =	stream.indirect_vreg.gather [hbm4b:s3+s2], $0x80, v4, vm0, $0xb8;
	[tilespmem:$0x18100] =	vst v63  }
0x22: {  	v3 =	vadd.s32 v1, v3  }
0x23: {  	[tilespmem:s13], [sflag:$0x1] =	stream.indirect_vreg.gather [hbm4b:s5+s2], $0x80, v4, vm0, $0xb8;
	[tilespmem:$0x18100] =	vst v63  }
0x24: {  	_ = 	snop  }
0x25: {  	[tilespmem:s14], [sflag:$0x1] =	stream.indirect_vreg.gather [hbm4b:s6+s2], $0x80, v4, vm0, $0xb8;
	[tilespmem:$0x18100] =	vst v63  }
0x26: {  	_ = 	snop  }
0x27: {  	[tilespmem:s15], [sflag:$0x1] =	stream.indirect_vreg.gather [hbm4b:s3+s2], $0x80, v3, vm0, $0xb8;
	[tilespmem:$0x18100] =	vst v63  }
0x28: {  	_ = 	snop  }
0x29: {  	[tilespmem:s16], [sflag:$0x1] =	stream.indirect_vreg.gather [hbm4b:s5+s2], $0x80, v3, vm0, $0xb8;
	[tilespmem:$0x18100] =	vst v63  }
0x2a: {  	_ = 	snop  }
0x2b: {  	[tilespmem:s17], [sflag:$0x1] =	stream.indirect_vreg.gather [hbm4b:s6+s2], $0x80, v3, vm0, $0xb8;
	[tilespmem:$0x18100] =	vst v63  }
0x2c: {  	v3 =	vld [tilespmem:$0x10];
	_ =	sdelay $0x4  }
0x2d: {  	v49 =	vshrl.u32 v3, $0x3  }
0x2e: {  	v4 =	vmul.u32 $0x30, v49  }
0x2f: {  	v3 =	vand.u32 $0x7, v3  }
0x30: {  	v3 =	vor.u32 v3, v4  }
0x31: {  	v4 =	vperm.xlane v3, v0;
	_ =	sdelay $0x1  }
0x32: {  	v4 =	vadd.s32 v1, v4;
	_ =	sdelay $0x3  }
0x33: {  	v3 =	vperm.xlane v3, v2  }
0x34: {  	[tilespmem:s18], [sflag:$0x1] =	stream.indirect_vreg.gather [hbm4b:s3+s2], $0x80, v4, vm0, $0xb8;
	[tilespmem:$0x18100] =	vst v63  }
0x35: {  	v3 =	vadd.s32 v1, v3  }
0x36: {  	[tilespmem:s19], [sflag:$0x1] =	stream.indirect_vreg.gather [hbm4b:s5+s2], $0x80, v4, vm0, $0xb8;
	[tilespmem:$0x18100] =	vst v63  }
0x37: {  	_ = 	snop  }
0x38: {  	[tilespmem:s20], [sflag:$0x1] =	stream.indirect_vreg.gather [hbm4b:s6+s2], $0x80, v4, vm0, $0xb8;
	[tilespmem:$0x18100] =	vst v63  }
0x39: {  	_ = 	snop  }
0x3a: {  	[tilespmem:s21], [sflag:$0x1] =	stream.indirect_vreg.gather [hbm4b:s3+s2], $0x80, v3, vm0, $0xb8;
	[tilespmem:$0x18100] =	vst v63  }
0x3b: {  	_ = 	snop  }
0x3c: {  	[tilespmem:s22], [sflag:$0x1] =	stream.indirect_vreg.gather [hbm4b:s5+s2], $0x80, v3, vm0, $0xb8;
	[tilespmem:$0x18100] =	vst v63  }
0x3d: {  	_ = 	snop  }
0x3e: {  	[tilespmem:s23], [sflag:$0x1] =	stream.indirect_vreg.gather [hbm4b:s6+s2], $0x80, v3, vm0, $0xb8;
	[tilespmem:$0x18100] =	vst v63  }
0x3f: {  	v3 =	vld [tilespmem:$0x20];
	_ =	sdelay $0x4  }
0x40: {  	v50 =	vshrl.u32 v3, $0x3  }
0x41: {  	v4 =	vmul.u32 $0x30, v50  }
0x42: {  	v3 =	vand.u32 $0x7, v3  }
0x43: {  	v3 =	vor.u32 v3, v4  }
0x44: {  	v4 =	vperm.xlane v3, v0;
	_ =	sdelay $0x1  }
0x45: {  	v4 =	vadd.s32 v1, v4;
	_ =	sdelay $0x3  }
0x46: {  	v3 =	vperm.xlane v3, v2  }
0x47: {  	[tilespmem:s24], [sflag:$0x1] =	stream.indirect_vreg.gather [hbm4b:s3+s2], $0x80, v4, vm0, $0xb8;
	[tilespmem:$0x18100] =	vst v63  }
0x48: {  	v3 =	vadd.s32 v1, v3  }
0x49: {  	[tilespmem:s25], [sflag:$0x1] =	stream.indirect_vreg.gather [hbm4b:s5+s2], $0x80, v4, vm0, $0xb8;
	[tilespmem:$0x18100] =	vst v63  }
0x4a: {  	_ = 	snop  }
0x4b: {  	[tilespmem:s26], [sflag:$0x1] =	stream.indirect_vreg.gather [hbm4b:s6+s2], $0x80, v4, vm0, $0xb8;
	[tilespmem:$0x18100] =	vst v63  }
0x4c: {  	_ = 	snop  }
0x4d: {  	[tilespmem:s28], [sflag:$0x1] =	stream.indirect_vreg.gather [hbm4b:s3+s2], $0x80, v3, vm0, $0xb8;
	[tilespmem:$0x18100] =	vst v63  }
0x4e: {  	_ = 	snop  }
0x4f: {  	[tilespmem:s29], [sflag:$0x1] =	stream.indirect_vreg.gather [hbm4b:s5+s2], $0x80, v3, vm0, $0xb8;
	[tilespmem:$0x18100] =	vst v63  }
0x50: {  	_ = 	snop  }
0x51: {  	[tilespmem:s30], [sflag:$0x1] =	stream.indirect_vreg.gather [hbm4b:s6+s2], $0x80, v3, vm0, $0xb8;
	[tilespmem:$0x18100] =	vst v63  }
0x52: {  	v3 =	vld [tilespmem:$0x30];
	_ =	sdelay $0x4  }
0x53: {  	v51 =	vshrl.u32 v3, $0x3  }
0x54: {  	v4 =	vmul.u32 $0x30, v51  }
0x55: {  	v3 =	vand.u32 $0x7, v3  }
0x56: {  	v3 =	vor.u32 v3, v4  }
0x57: {  	v4 =	vperm.xlane v3, v0;
	_ =	sdelay $0x1  }
0x58: {  	v4 =	vadd.s32 v1, v4;
	_ =	sdelay $0x3  }
0x59: {  	v3 =	vperm.xlane v3, v2  }
0x5a: {  	[tilespmem:s31], [sflag:$0x1] =	stream.indirect_vreg.gather [hbm4b:s3+s2], $0x80, v4, vm0, $0xb8;
	[tilespmem:$0x18100] =	vst v63  }
0x5b: {  	s1 =	simm.s32 $0x9900;
	v3 =	vadd.s32 v1, v3  }
0x5c: {  	[tilespmem:s1], [sflag:$0x1] =	stream.indirect_vreg.gather [hbm4b:s5+s2], $0x80, v4, vm0, $0xb8;
	[tilespmem:$0x18100] =	vst v63  }
0x5d: {  	s12 =	simm.s32 $0xA100  }
0x5e: {  	[tilespmem:s12], [sflag:$0x1] =	stream.indirect_vreg.gather [hbm4b:s6+s2], $0x80, v4, vm0, $0xb8;
	[tilespmem:$0x18100] =	vst v63  }
0x5f: {  	_ = 	snop  }
0x60: {  	[tilespmem:s9], [sflag:$0x1] =	stream.indirect_vreg.gather [hbm4b:s3+s2], $0x80, v3, vm0, $0xb8;
	[tilespmem:$0x18100] =	vst v63  }
0x61: {  	s7 =	simm.s32 $0xB100  }
0x62: {  	[tilespmem:s7], [sflag:$0x1] =	stream.indirect_vreg.gather [hbm4b:s5+s2], $0x80, v3, vm0, $0xb8;
	[tilespmem:$0x18100] =	vst v63  }
0x63: {  	_ = 	snop  }
0x64: {  	[tilespmem:s10], [sflag:$0x1] =	stream.indirect_vreg.gather [hbm4b:s6+s2], $0x80, v3, vm0, $0xb8;
	[tilespmem:$0x18100] =	vst v63  }
0x65: {  	v3 =	vld [tilespmem:$0x40];
	_ =	sdelay $0x4  }
0x66: {  	v52 =	vshrl.u32 v3, $0x3  }
0x67: {  	v4 =	vmul.u32 $0x30, v52  }
0x68: {  	v3 =	vand.u32 $0x7, v3  }
0x69: {  	v3 =	vor.u32 v3, v4  }
0x6a: {  	v4 =	vperm.xlane v3, v0;
	_ =	sdelay $0x1  }
0x6b: {  	v4 =	vadd.s32 v1, v4;
	_ =	sdelay $0x3  }
0x6c: {  	v3 =	vperm.xlane v3, v2  }
0x6d: {  	[tilespmem:s11], [sflag:$0x2] =	stream.indirect_vreg.gather [hbm4b:s3+s2], $0x80, v4, vm0, $0xb8;
	[tilespmem:$0x18100] =	vst v63  }
0x6e: {  	s12 =	simm.s32 $0xC900;
	v3 =	vadd.s32 v1, v3  }
0x6f: {  	[tilespmem:s12], [sflag:$0x2] =	stream.indirect_vreg.gather [hbm4b:s5+s2], $0x80, v4, vm0, $0xb8;
	[tilespmem:$0x18100] =	vst v63  }
0x70: {  	s7 =	simm.s32 $0xD100  }
0x71: {  	[tilespmem:s7], [sflag:$0x2] =	stream.indirect_vreg.gather [hbm4b:s6+s2], $0x80, v4, vm0, $0xb8;
	[tilespmem:$0x18100] =	vst v63  }
0x72: {  	s12 =	simm.s32 $0xD900  }
0x73: {  	[tilespmem:s12], [sflag:$0x2] =	stream.indirect_vreg.gather [hbm4b:s3+s2], $0x80, v3, vm0, $0xb8;
	[tilespmem:$0x18100] =	vst v63  }
0x74: {  	s7 =	simm.s32 $0xE100  }
0x75: {  	[tilespmem:s7], [sflag:$0x2] =	stream.indirect_vreg.gather [hbm4b:s5+s2], $0x80, v3, vm0, $0xb8;
	[tilespmem:$0x18100] =	vst v63  }
0x76: {  	s12 =	simm.s32 $0xE900  }
0x77: {  	[tilespmem:s12], [sflag:$0x2] =	stream.indirect_vreg.gather [hbm4b:s6+s2], $0x80, v3, vm0, $0xb8;
	[tilespmem:$0x18100] =	vst v63  }
0x78: {  	v3 =	vld [tilespmem:$0x50];
	_ =	sdelay $0x4  }
0x79: {  	v53 =	vshrl.u32 v3, $0x3  }
0x7a: {  	v4 =	vmul.u32 $0x30, v53  }
0x7b: {  	v3 =	vand.u32 $0x7, v3  }
0x7c: {  	v3 =	vor.u32 v3, v4  }
0x7d: {  	v4 =	vperm.xlane v3, v0;
	_ =	sdelay $0x1  }
0x7e: {  	v4 =	vadd.s32 v1, v4;
	_ =	sdelay $0x3  }
0x7f: {  	s7 =	simm.s32 $0xF100;
	v3 =	vperm.xlane v3, v2  }
0x80: {  	[tilespmem:s7], [sflag:$0x2] =	stream.indirect_vreg.gather [hbm4b:s3+s2], $0x80, v4, vm0, $0xb8;
	[tilespmem:$0x18100] =	vst v63  }
0x81: {  	s12 =	simm.s32 $0xF900;
	v3 =	vadd.s32 v1, v3  }
0x82: {  	[tilespmem:s12], [sflag:$0x2] =	stream.indirect_vreg.gather [hbm4b:s5+s2], $0x80, v4, vm0, $0xb8;
	[tilespmem:$0x18100] =	vst v63  }
0x83: {  	s7 =	simm.s32 $0x10100  }
0x84: {  	[tilespmem:s7], [sflag:$0x2] =	stream.indirect_vreg.gather [hbm4b:s6+s2], $0x80, v4, vm0, $0xb8;
	[tilespmem:$0x18100] =	vst v63  }
0x85: {  	s12 =	simm.s32 $0x10900  }
0x86: {  	[tilespmem:s12], [sflag:$0x2] =	stream.indirect_vreg.gather [hbm4b:s3+s2], $0x80, v3, vm0, $0xb8;
	[tilespmem:$0x18100] =	vst v63  }
0x87: {  	s7 =	simm.s32 $0x11100  }
0x88: {  	[tilespmem:s7], [sflag:$0x2] =	stream.indirect_vreg.gather [hbm4b:s5+s2], $0x80, v3, vm0, $0xb8;
	[tilespmem:$0x18100] =	vst v63  }
0x89: {  	s12 =	simm.s32 $0x11900  }
0x8a: {  	[tilespmem:s12], [sflag:$0x2] =	stream.indirect_vreg.gather [hbm4b:s6+s2], $0x80, v3, vm0, $0xb8;
	[tilespmem:$0x18100] =	vst v63  }
0x8b: {  	v3 =	vld [tilespmem:$0x60];
	_ =	sdelay $0x4  }
0x8c: {  	v54 =	vshrl.u32 v3, $0x3  }
0x8d: {  	v4 =	vmul.u32 $0x30, v54  }
0x8e: {  	v3 =	vand.u32 $0x7, v3  }
0x8f: {  	v3 =	vor.u32 v3, v4  }
0x90: {  	v4 =	vperm.xlane v3, v0;
	_ =	sdelay $0x1  }
0x91: {  	v4 =	vadd.s32 v1, v4;
	_ =	sdelay $0x3  }
0x92: {  	s7 =	simm.s32 $0x12100;
	v3 =	vperm.xlane v3, v2  }
0x93: {  	[tilespmem:s7], [sflag:$0x2] =	stream.indirect_vreg.gather [hbm4b:s3+s2], $0x80, v4, vm0, $0xb8;
	[tilespmem:$0x18100] =	vst v63  }
0x94: {  	s12 =	simm.s32 $0x12900;
	v3 =	vadd.s32 v1, v3  }
0x95: {  	[tilespmem:s12], [sflag:$0x2] =	stream.indirect_vreg.gather [hbm4b:s5+s2], $0x80, v4, vm0, $0xb8;
	[tilespmem:$0x18100] =	vst v63  }
0x96: {  	s7 =	simm.s32 $0x13100  }
0x97: {  	[tilespmem:s7], [sflag:$0x2] =	stream.indirect_vreg.gather [hbm4b:s6+s2], $0x80, v4, vm0, $0xb8;
	[tilespmem:$0x18100] =	vst v63  }
0x98: {  	s12 =	simm.s32 $0x13900  }
0x99: {  	[tilespmem:s12], [sflag:$0x2] =	stream.indirect_vreg.gather [hbm4b:s3+s2], $0x80, v3, vm0, $0xb8;
	[tilespmem:$0x18100] =	vst v63  }
0x9a: {  	s7 =	simm.s32 $0x14100  }
0x9b: {  	[tilespmem:s7], [sflag:$0x2] =	stream.indirect_vreg.gather [hbm4b:s5+s2], $0x80, v3, vm0, $0xb8;
	[tilespmem:$0x18100] =	vst v63  }
0x9c: {  	s12 =	simm.s32 $0x14900  }
0x9d: {  	[tilespmem:s12], [sflag:$0x2] =	stream.indirect_vreg.gather [hbm4b:s6+s2], $0x80, v3, vm0, $0xb8;
	[tilespmem:$0x18100] =	vst v63  }
0x9e: {  	v3 =	vld [tilespmem:$0x70];
	_ =	sdelay $0x4  }
0x9f: {  	v55 =	vshrl.u32 v3, $0x3  }
0xa0: {  	v4 =	vmul.u32 $0x30, v55  }
0xa1: {  	v3 =	vand.u32 $0x7, v3  }
0xa2: {  	v3 =	vor.u32 v3, v4  }
0xa3: {  	v4 =	vperm.xlane v3, v0;
	_ =	sdelay $0x1  }
0xa4: {  	v4 =	vadd.s32 v1, v4;
	_ =	sdelay $0x3  }
0xa5: {  	s7 =	simm.s32 $0x15100;
	v3 =	vperm.xlane v3, v2  }
0xa6: {  	[tilespmem:s7], [sflag:$0x2] =	stream.indirect_vreg.gather [hbm4b:s3+s2], $0x80, v4, vm0, $0xb8;
	[tilespmem:$0x18100] =	vst v63  }
0xa7: {  	s12 =	simm.s32 $0x15900;
	v3 =	vadd.s32 v1, v3  }
0xa8: {  	[tilespmem:s12], [sflag:$0x2] =	stream.indirect_vreg.gather [hbm4b:s5+s2], $0x80, v4, vm0, $0xb8;
	[tilespmem:$0x18100] =	vst v63  }
0xa9: {  	s7 =	simm.s32 $0x16100  }
0xaa: {  	[tilespmem:s7], [sflag:$0x2] =	stream.indirect_vreg.gather [hbm4b:s6+s2], $0x80, v4, vm0, $0xb8;
	[tilespmem:$0x18100] =	vst v63  }
0xab: {  	s12 =	simm.s32 $0x16900  }
0xac: {  	[tilespmem:s12], [sflag:$0x2] =	stream.indirect_vreg.gather [hbm4b:s3+s2], $0x80, v3, vm0, $0xb8;
	[tilespmem:$0x18100] =	vst v63  }
0xad: {  	s7 =	simm.s32 $0x17100  }
0xae: {  	[tilespmem:s7], [sflag:$0x2] =	stream.indirect_vreg.gather [hbm4b:s5+s2], $0x80, v3, vm0, $0xb8;
	[tilespmem:$0x18100] =	vst v63  }
0xaf: {  	s0 =	simm.s32 $0x1;
	s12 =	simm.s32 $0x17900  }
0xb0: {  	[tilespmem:s12], [sflag:$0x2] =	stream.indirect_vreg.gather [hbm4b:s6+s2], $0x80, v3, vm0, $0xb8;
	[tilespmem:$0x18100] =	vst v63  }
0xb1: {  	_ =	swait.ge [sflag:s0], $0xC000  }
0xb2: {  	[sflag:s0] =	ssyncset.done $0x0  }
0xb3: {  	s7 =	simm.s32 $0x100;
	s12 =	rddreg [dreg:$0x7];
	[sflag:s0] =	ssyncadd.s32 $0xFFFF4000  }
0xb4: {  	[hbm4b:s12+s2] =	stream.linear.scatter [tilespmem:s7], [sflag:$0x3], $0xC000, $0x38;
	[tilespmem:$0x18100] =	vst v63  }
0xb5: {  	_ =	swait.ge [sflag:s8], $0xC000  }
0xb6: {  	[sflag:s8] =	ssyncset.done $0x0  }
0xb7: {  	[sflag:s8] =	ssyncadd.s32 $0xFFFF4000  }
0xb8: {  	v3 =	vld [tilespmem:$0x80];
	_ =	sdelay $0x4  }
0xb9: {  	v56 =	vshrl.u32 v3, $0x3  }
0xba: {  	v4 =	vmul.u32 $0x30, v56  }
0xbb: {  	v3 =	vand.u32 $0x7, v3  }
0xbc: {  	v3 =	vor.u32 v3, v4  }
0xbd: {  	v4 =	vperm.xlane v3, v0;
	_ =	sdelay $0x1  }
0xbe: {  	v4 =	vadd.s32 v1, v4;
	_ =	sdelay $0x3  }
0xbf: {  	v3 =	vperm.xlane v3, v2  }
0xc0: {  	[tilespmem:s7], [sflag:$0x1] =	stream.indirect_vreg.gather [hbm4b:s3+s2], $0x80, v4, vm0, $0xb8;
	[tilespmem:$0x18100] =	vst v63  }
0xc1: {  	v3 =	vadd.s32 v1, v3  }
0xc2: {  	[tilespmem:s13], [sflag:$0x1] =	stream.indirect_vreg.gather [hbm4b:s5+s2], $0x80, v4, vm0, $0xb8;
	[tilespmem:$0x18100] =	vst v63  }
0xc3: {  	_ = 	snop  }
0xc4: {  	[tilespmem:s14], [sflag:$0x1] =	stream.indirect_vreg.gather [hbm4b:s6+s2], $0x80, v4, vm0, $0xb8;
	[tilespmem:$0x18100] =	vst v63  }
0xc5: {  	_ = 	snop  }
0xc6: {  	[tilespmem:s15], [sflag:$0x1] =	stream.indirect_vreg.gather [hbm4b:s3+s2], $0x80, v3, vm0, $0xb8;
	[tilespmem:$0x18100] =	vst v63  }
0xc7: {  	_ = 	snop  }
0xc8: {  	[tilespmem:s16], [sflag:$0x1] =	stream.indirect_vreg.gather [hbm4b:s5+s2], $0x80, v3, vm0, $0xb8;
	[tilespmem:$0x18100] =	vst v63  }
0xc9: {  	_ = 	snop  }
0xca: {  	[tilespmem:s17], [sflag:$0x1] =	stream.indirect_vreg.gather [hbm4b:s6+s2], $0x80, v3, vm0, $0xb8;
	[tilespmem:$0x18100] =	vst v63  }
0xcb: {  	v3 =	vld [tilespmem:$0x90];
	_ =	sdelay $0x4  }
0xcc: {  	v57 =	vshrl.u32 v3, $0x3  }
0xcd: {  	v4 =	vmul.u32 $0x30, v57  }
0xce: {  	v3 =	vand.u32 $0x7, v3  }
0xcf: {  	v3 =	vor.u32 v3, v4  }
0xd0: {  	v4 =	vperm.xlane v3, v0;
	_ =	sdelay $0x1  }
0xd1: {  	v4 =	vadd.s32 v1, v4;
	_ =	sdelay $0x3  }
0xd2: {  	v3 =	vperm.xlane v3, v2  }
0xd3: {  	[tilespmem:s18], [sflag:$0x1] =	stream.indirect_vreg.gather [hbm4b:s3+s2], $0x80, v4, vm0, $0xb8;
	[tilespmem:$0x18100] =	vst v63  }
0xd4: {  	v3 =	vadd.s32 v1, v3  }
0xd5: {  	[tilespmem:s19], [sflag:$0x1] =	stream.indirect_vreg.gather [hbm4b:s5+s2], $0x80, v4, vm0, $0xb8;
	[tilespmem:$0x18100] =	vst v63  }
0xd6: {  	_ = 	snop  }
0xd7: {  	[tilespmem:s20], [sflag:$0x1] =	stream.indirect_vreg.gather [hbm4b:s6+s2], $0x80, v4, vm0, $0xb8;
	[tilespmem:$0x18100] =	vst v63  }
0xd8: {  	_ = 	snop  }
0xd9: {  	[tilespmem:s21], [sflag:$0x1] =	stream.indirect_vreg.gather [hbm4b:s3+s2], $0x80, v3, vm0, $0xb8;
	[tilespmem:$0x18100] =	vst v63  }
0xda: {  	_ = 	snop  }
0xdb: {  	[tilespmem:s22], [sflag:$0x1] =	stream.indirect_vreg.gather [hbm4b:s5+s2], $0x80, v3, vm0, $0xb8;
	[tilespmem:$0x18100] =	vst v63  }
0xdc: {  	_ = 	snop  }
0xdd: {  	[tilespmem:s23], [sflag:$0x1] =	stream.indirect_vreg.gather [hbm4b:s6+s2], $0x80, v3, vm0, $0xb8;
	[tilespmem:$0x18100] =	vst v63  }
0xde: {  	v3 =	vld [tilespmem:$0xA0];
	_ =	sdelay $0x4  }
0xdf: {  	v58 =	vshrl.u32 v3, $0x3  }
0xe0: {  	v4 =	vmul.u32 $0x30, v58  }
0xe1: {  	v3 =	vand.u32 $0x7, v3  }
0xe2: {  	v3 =	vor.u32 v3, v4  }
0xe3: {  	v4 =	vperm.xlane v3, v0;
	_ =	sdelay $0x1  }
0xe4: {  	v4 =	vadd.s32 v1, v4;
	_ =	sdelay $0x3  }
0xe5: {  	v3 =	vperm.xlane v3, v2  }
0xe6: {  	[tilespmem:s24], [sflag:$0x1] =	stream.indirect_vreg.gather [hbm4b:s3+s2], $0x80, v4, vm0, $0xb8;
	[tilespmem:$0x18100] =	vst v63  }
0xe7: {  	v3 =	vadd.s32 v1, v3  }
0xe8: {  	[tilespmem:s25], [sflag:$0x1] =	stream.indirect_vreg.gather [hbm4b:s5+s2], $0x80, v4, vm0, $0xb8;
	[tilespmem:$0x18100] =	vst v63  }
0xe9: {  	_ = 	snop  }
0xea: {  	[tilespmem:s26], [sflag:$0x1] =	stream.indirect_vreg.gather [hbm4b:s6+s2], $0x80, v4, vm0, $0xb8;
	[tilespmem:$0x18100] =	vst v63  }
0xeb: {  	_ = 	snop  }
0xec: {  	[tilespmem:s28], [sflag:$0x1] =	stream.indirect_vreg.gather [hbm4b:s3+s2], $0x80, v3, vm0, $0xb8;
	[tilespmem:$0x18100] =	vst v63  }
0xed: {  	_ = 	snop  }
0xee: {  	[tilespmem:s29], [sflag:$0x1] =	stream.indirect_vreg.gather [hbm4b:s5+s2], $0x80, v3, vm0, $0xb8;
	[tilespmem:$0x18100] =	vst v63  }
0xef: {  	_ = 	snop  }
0xf0: {  	[tilespmem:s30], [sflag:$0x1] =	stream.indirect_vreg.gather [hbm4b:s6+s2], $0x80, v3, vm0, $0xb8;
	[tilespmem:$0x18100] =	vst v63  }
0xf1: {  	v3 =	vld [tilespmem:$0xB0];
	_ =	sdelay $0x4  }
0xf2: {  	v59 =	vshrl.u32 v3, $0x3  }
0xf3: {  	v4 =	vmul.u32 $0x30, v59  }
0xf4: {  	v3 =	vand.u32 $0x7, v3  }
0xf5: {  	v3 =	vor.u32 v3, v4  }
0xf6: {  	v4 =	vperm.xlane v3, v0;
	_ =	sdelay $0x1  }
0xf7: {  	v4 =	vadd.s32 v1, v4;
	_ =	sdelay $0x3  }
0xf8: {  	v3 =	vperm.xlane v3, v2  }
0xf9: {  	[tilespmem:s31], [sflag:$0x1] =	stream.indirect_vreg.gather [hbm4b:s3+s2], $0x80, v4, vm0, $0xb8;
	[tilespmem:$0x18100] =	vst v63  }
0xfa: {  	v3 =	vadd.s32 v1, v3  }
0xfb: {  	[tilespmem:s1], [sflag:$0x1] =	stream.indirect_vreg.gather [hbm4b:s5+s2], $0x80, v4, vm0, $0xb8;
	[tilespmem:$0x18100] =	vst v63  }
0xfc: {  	s7 =	simm.s32 $0xA100  }
0xfd: {  	[tilespmem:s7], [sflag:$0x1] =	stream.indirect_vreg.gather [hbm4b:s6+s2], $0x80, v4, vm0, $0xb8;
	[tilespmem:$0x18100] =	vst v63  }
0xfe: {  	_ = 	snop  }
0xff: {  	[tilespmem:s9], [sflag:$0x1] =	stream.indirect_vreg.gather [hbm4b:s3+s2], $0x80, v3, vm0, $0xb8;
	[tilespmem:$0x18100] =	vst v63  }
0x100: {  	s12 =	simm.s32 $0xB100  }
0x101: {  	[tilespmem:s12], [sflag:$0x1] =	stream.indirect_vreg.gather [hbm4b:s5+s2], $0x80, v3, vm0, $0xb8;
	[tilespmem:$0x18100] =	vst v63  }
0x102: {  	s1 =	simm.s32 $0x2  }
0x103: {  	[tilespmem:s10], [sflag:$0x1] =	stream.indirect_vreg.gather [hbm4b:s6+s2], $0x80, v3, vm0, $0xb8;
	[tilespmem:$0x18100] =	vst v63  }
0x104: {  	_ =	swait.ge [sflag:s1], $0xC000  }
0x105: {  	[sflag:s1] =	ssyncset.done $0x0  }
0x106: {  	s7 =	rddreg [dreg:$0x4];
	[sflag:s1] =	ssyncadd.s32 $0xFFFF4000  }
0x107: {  	[hbm4b:s7+s2] =	stream.linear.scatter [tilespmem:s11], [sflag:$0x3], $0xC000, $0x38;
	[tilespmem:$0x18100] =	vst v63  }
0x108: {  	_ =	swait.ge [sflag:s8], $0xC000  }
0x109: {  	[sflag:s8] =	ssyncset.done $0x0  }
0x10a: {  	[sflag:s8] =	ssyncadd.s32 $0xFFFF4000  }
0x10b: {  	v3 =	vld [tilespmem:$0xC0];
	_ =	sdelay $0x4  }
0x10c: {  	v60 =	vshrl.u32 v3, $0x3  }
0x10d: {  	v4 =	vmul.u32 $0x30, v60  }
0x10e: {  	v3 =	vand.u32 $0x7, v3  }
0x10f: {  	v3 =	vor.u32 v3, v4  }
0x110: {  	v4 =	vperm.xlane v3, v0;
	_ =	sdelay $0x1  }
0x111: {  	v4 =	vadd.s32 v1, v4;
	_ =	sdelay $0x3  }
0x112: {  	v3 =	vperm.xlane v3, v2  }
0x113: {  	[tilespmem:s11], [sflag:$0x2] =	stream.indirect_vreg.gather [hbm4b:s3+s2], $0x80, v4, vm0, $0xb8;
	[tilespmem:$0x18100] =	vst v63  }
0x114: {  	s12 =	simm.s32 $0xC900;
	v3 =	vadd.s32 v1, v3  }
0x115: {  	[tilespmem:s12], [sflag:$0x2] =	stream.indirect_vreg.gather [hbm4b:s5+s2], $0x80, v4, vm0, $0xb8;
	[tilespmem:$0x18100] =	vst v63  }
0x116: {  	s12 =	simm.s32 $0xD100  }
0x117: {  	[tilespmem:s12], [sflag:$0x2] =	stream.indirect_vreg.gather [hbm4b:s6+s2], $0x80, v4, vm0, $0xb8;
	[tilespmem:$0x18100] =	vst v63  }
0x118: {  	s12 =	simm.s32 $0xD900  }
0x119: {  	[tilespmem:s12], [sflag:$0x2] =	stream.indirect_vreg.gather [hbm4b:s3+s2], $0x80, v3, vm0, $0xb8;
	[tilespmem:$0x18100] =	vst v63  }
0x11a: {  	s12 =	simm.s32 $0xE100  }
0x11b: {  	[tilespmem:s12], [sflag:$0x2] =	stream.indirect_vreg.gather [hbm4b:s5+s2], $0x80, v3, vm0, $0xb8;
	[tilespmem:$0x18100] =	vst v63  }
0x11c: {  	s12 =	simm.s32 $0xE900  }
0x11d: {  	[tilespmem:s12], [sflag:$0x2] =	stream.indirect_vreg.gather [hbm4b:s6+s2], $0x80, v3, vm0, $0xb8;
	[tilespmem:$0x18100] =	vst v63  }
0x11e: {  	v3 =	vld [tilespmem:$0xD0];
	_ =	sdelay $0x4  }
0x11f: {  	v61 =	vshrl.u32 v3, $0x3  }
0x120: {  	v4 =	vmul.u32 $0x30, v61  }
0x121: {  	v3 =	vand.u32 $0x7, v3  }
0x122: {  	v3 =	vor.u32 v3, v4  }
0x123: {  	v4 =	vperm.xlane v3, v0;
	_ =	sdelay $0x1  }
0x124: {  	v4 =	vadd.s32 v1, v4;
	_ =	sdelay $0x3  }
0x125: {  	s12 =	simm.s32 $0xF100;
	v3 =	vperm.xlane v3, v2  }
0x126: {  	[tilespmem:s12], [sflag:$0x2] =	stream.indirect_vreg.gather [hbm4b:s3+s2], $0x80, v4, vm0, $0xb8;
	[tilespmem:$0x18100] =	vst v63  }
0x127: {  	v3 =	vadd.s32 v1, v3;
	s12 =	simm.s32 $0xF900  }
0x128: {  	[tilespmem:s12], [sflag:$0x2] =	stream.indirect_vreg.gather [hbm4b:s5+s2], $0x80, v4, vm0, $0xb8;
	[tilespmem:$0x18100] =	vst v63  }
0x129: {  	s12 =	simm.s32 $0x10100  }
0x12a: {  	[tilespmem:s12], [sflag:$0x2] =	stream.indirect_vreg.gather [hbm4b:s6+s2], $0x80, v4, vm0, $0xb8;
	[tilespmem:$0x18100] =	vst v63  }
0x12b: {  	s12 =	simm.s32 $0x10900  }
0x12c: {  	[tilespmem:s12], [sflag:$0x2] =	stream.indirect_vreg.gather [hbm4b:s3+s2], $0x80, v3, vm0, $0xb8;
	[tilespmem:$0x18100] =	vst v63  }
0x12d: {  	s12 =	simm.s32 $0x11100  }
0x12e: {  	[tilespmem:s12], [sflag:$0x2] =	stream.indirect_vreg.gather [hbm4b:s5+s2], $0x80, v3, vm0, $0xb8;
	[tilespmem:$0x18100] =	vst v63  }
0x12f: {  	s12 =	simm.s32 $0x11900  }
0x130: {  	[tilespmem:s12], [sflag:$0x2] =	stream.indirect_vreg.gather [hbm4b:s6+s2], $0x80, v3, vm0, $0xb8;
	[tilespmem:$0x18100] =	vst v63  }
0x131: {  	v3 =	vld [tilespmem:$0xE0];
	_ =	sdelay $0x4  }
0x132: {  	v62 =	vshrl.u32 v3, $0x3  }
0x133: {  	v4 =	vmul.u32 $0x30, v62  }
0x134: {  	v3 =	vand.u32 $0x7, v3  }
0x135: {  	v3 =	vor.u32 v3, v4  }
0x136: {  	v4 =	vperm.xlane v3, v0;
	_ =	sdelay $0x1  }
0x137: {  	v4 =	vadd.s32 v1, v4;
	_ =	sdelay $0x3  }
0x138: {  	s12 =	simm.s32 $0x12100;
	v3 =	vperm.xlane v3, v2  }
0x139: {  	[tilespmem:s12], [sflag:$0x2] =	stream.indirect_vreg.gather [hbm4b:s3+s2], $0x80, v4, vm0, $0xb8;
	[tilespmem:$0x18100] =	vst v63  }
0x13a: {  	v3 =	vadd.s32 v1, v3;
	s12 =	simm.s32 $0x12900  }
0x13b: {  	[tilespmem:s12], [sflag:$0x2] =	stream.indirect_vreg.gather [hbm4b:s5+s2], $0x80, v4, vm0, $0xb8;
	[tilespmem:$0x18100] =	vst v63  }
0x13c: {  	s12 =	simm.s32 $0x13100  }
0x13d: {  	[tilespmem:s12], [sflag:$0x2] =	stream.indirect_vreg.gather [hbm4b:s6+s2], $0x80, v4, vm0, $0xb8;
	[tilespmem:$0x18100] =	vst v63  }
0x13e: {  	s12 =	simm.s32 $0x13900  }
0x13f: {  	[tilespmem:s12], [sflag:$0x2] =	stream.indirect_vreg.gather [hbm4b:s3+s2], $0x80, v3, vm0, $0xb8;
	[tilespmem:$0x18100] =	vst v63  }
0x140: {  	s12 =	simm.s32 $0x14100  }
0x141: {  	[tilespmem:s12], [sflag:$0x2] =	stream.indirect_vreg.gather [hbm4b:s5+s2], $0x80, v3, vm0, $0xb8;
	[tilespmem:$0x18100] =	vst v63  }
0x142: {  	s12 =	simm.s32 $0x14900  }
0x143: {  	[tilespmem:s12], [sflag:$0x2] =	stream.indirect_vreg.gather [hbm4b:s6+s2], $0x80, v3, vm0, $0xb8;
	[tilespmem:$0x18100] =	vst v63  }
0x144: {  	v3 =	vld [tilespmem:$0xF0];
	_ =	sdelay $0x4  }
0x145: {  	v63 =	vshrl.u32 v3, $0x3  }
0x146: {  	v4 =	vmul.u32 $0x30, v63  }
0x147: {  	v3 =	vand.u32 $0x7, v3  }
0x148: {  	v3 =	vor.u32 v3, v4  }
0x149: {  	v4 =	vperm.xlane v3, v0;
	_ =	sdelay $0x1  }
0x14a: {  	v4 =	vadd.s32 v1, v4;
	_ =	sdelay $0x3  }
0x14b: {  	s12 =	simm.s32 $0x15100;
	v3 =	vperm.xlane v3, v2  }
0x14c: {  	[tilespmem:s12], [sflag:$0x2] =	stream.indirect_vreg.gather [hbm4b:s3+s2], $0x80, v4, vm0, $0xb8;
	[tilespmem:$0x18100] =	vst v63  }
0x14d: {  	v3 =	vadd.s32 v1, v3;
	s12 =	simm.s32 $0x15900  }
0x14e: {  	[tilespmem:s12], [sflag:$0x2] =	stream.indirect_vreg.gather [hbm4b:s5+s2], $0x80, v4, vm0, $0xb8;
	[tilespmem:$0x18100] =	vst v63  }
0x14f: {  	s12 =	simm.s32 $0x16100  }
0x150: {  	[tilespmem:s12], [sflag:$0x2] =	stream.indirect_vreg.gather [hbm4b:s6+s2], $0x80, v4, vm0, $0xb8;
	[tilespmem:$0x18100] =	vst v63  }
0x151: {  	s12 =	simm.s32 $0x16900  }
0x152: {  	[tilespmem:s12], [sflag:$0x2] =	stream.indirect_vreg.gather [hbm4b:s3+s2], $0x80, v3, vm0, $0xb8;
	[tilespmem:$0x18100] =	vst v63  }
0x153: {  	s12 =	simm.s32 $0x17100  }
0x154: {  	[tilespmem:s12], [sflag:$0x2] =	stream.indirect_vreg.gather [hbm4b:s5+s2], $0x80, v3, vm0, $0xb8;
	[tilespmem:$0x18100] =	vst v63  }
0x155: {  	s12 =	simm.s32 $0x17900  }
0x156: {  	[tilespmem:s12], [sflag:$0x2] =	stream.indirect_vreg.gather [hbm4b:s6+s2], $0x80, v3, vm0, $0xb8;
	[tilespmem:$0x18100] =	vst v63  }
0x157: {  	_ =	swait.ge [sflag:s0], $0xC000  }
0x158: {  	[sflag:s0] =	ssyncset.done $0x0  }
0x159: {  	s7 =	simm.s32 $0x100;
	s12 =	rddreg [dreg:$0x5];
	[sflag:s0] =	ssyncadd.s32 $0xFFFF4000  }
0x15a: {  	[hbm4b:s12+s2] =	stream.linear.scatter [tilespmem:s7], [sflag:$0x3], $0xC000, $0x38;
	[tilespmem:$0x18100] =	vst v63  }
0x15b: {  	_ =	swait.ge [sflag:s8], $0xC000  }
0x15c: {  	[sflag:s8] =	ssyncset.done $0x0  }
0x15d: {  	[sflag:s8] =	ssyncadd.s32 $0xFFFF4000  }
0x15e: {  	_ =	swait.ge [sflag:s1], $0xC000  }
0x15f: {  	p0 =	sne.s32 s4, $0x1;
	[sflag:s1] =	ssyncset.done $0x0  }
.Ltmp0:
0x160: {  	s7 =	rddreg [dreg:$0x6];
	[sflag:s1] =	ssyncadd.s32 $0xFFFF4000;
	(pc) =	sbr.rel @p0 .LBB2_1-.Ltmp0, $4  }
0x161: {  	[hbm4b:s7+s2] =	stream.linear.scatter [tilespmem:s11], [sflag:$0x3], $0xC000, $0x38;
	[tilespmem:$0x18100] =	vst v63  }
0x162: {  	_ =	swait.ge [sflag:s8], $0xC000  }
0x163: {  	[sflag:s8] =	ssyncset.done $0x0  }
0x164: {  	s4 =	sadd.s32 $0xFFFFFFFF, s4;
	[sflag:s8] =	ssyncadd.s32 $0xFFFF4000  }
0x165: {  	_ =	sfence.sel $0x180000  }
0x166: {  	[bflag:$0x0] =	sbarrier.arrive $0xFFFF  }
0x167: {  	_ =	strace $0x9000004D  }
0x168: {  	s0 =	stileid.u32;
	[bflag:$0x2] =	sbarrier.arrive $0xFFFF  }
0x169: {  	p0 =	sne.s32 s0, $0x0;
	s0 =	rddreg [dreg:$0x2]  }
0x16a: {  	s0 =	sadd.s32 @!p0 $0x100000, s0  }
0x16b: {  	[sflag:s0] =	ssyncadd.tile.s32 @!p0 $0x1;
	_ =	shalt  }
.Lfunc_end2:
_tile_overlayer_lowered:
.L_overlay_start_2:
0x16c: {  	(tag) =	ssettag $0x2  }
0x16d: {  	s0 =	rddreg [dreg:$0x0];
	s2 =	stileid.u32  }
0x16e: {  	s1 =	rddreg [dreg:$0x1];
	p0 =	sne.s32 s2, $0x0  }
0x16f: {  	s3 =	rddreg [dreg:$0x2];
	[bflag:$0x3] =	sbarrier.arrive $0xFFFF;
	s2 =	simm.s32 @!p0 $0x1C03  }
0x170: {  	[timem:s3], [sflag:s2] =	dma.local @!p0 [hbm:s0], s1  }
0x171: {  	s0 =	simm.s32 @!p0 $0x3  }
0x172: {  	_ =	swait.ge @!p0 [sflag:s0], s1  }
0x173: {  	s1 =	ssub.s32 @!p0 $0x0, s1;
	[sflag:s0] =	ssyncset.done @!p0 $0x0  }
0x174: {  	[sflag:s0] =	ssyncadd.s32 @!p0 s1  }
0x175: {  	[bflag:$0x3] =	sbarrier.arrive $0xFFFF  }
0x176: {  	_ =	shalt  }

// kernel: scatter_offload_async_start
scs
__scs_entry_jumppad:
0x0: {  	(pc) =	sbr.rel $0x88, $3  }
0x1: {  	(tag) =	ssettag $0x0;
	lr =	simm.s32 $0x1  }
0x2: {  	[smem:$0x3F9C] =	sst lr;
	_ =	strace $0xD0000000  }
0x3: {  	_ = 	snop  }
0x4: {  	_ = 	snop  }
0x5: {  	_ = 	snop  }
0x6: {  	_ = 	snop  }
0x7: {  	_ = 	snop  }
__scs_overlays_trampoline_lowered:
0x8: {  	[smem:$0x3FAB] =	sst s0  }
0x9: {  	[smem:$0x3FAC] =	sst s1  }
0xa: {  	[smem:$0x3FAD] =	sst s2  }
0xb: {  	[smem:$0x3FAE] =	sst s3  }
0xc: {  	[smem:$0x3FAF] =	sst s4  }
0xd: {  	[smem:$0x3FB0] =	sst s5  }
0xe: {  	[smem:$0x3FB1] =	sst s6  }
0xf: {  	[smem:$0x3FB2] =	sst s7  }
0x10: {  	[smem:$0x3FB3] =	sst s8  }
0x11: {  	[smem:$0x3FB4] =	sst s9;
	s0 =	simm.s32 @!p0 $0x0  }
0x12: {  	s1 =	sld [smem:$0x3F9A];
	s0 =	simm.s32 @p0 $0x1  }
0x13: {  	[smem:$0x3FB5] =	sst s0;
	s0 =	simm.s32 @!p1 $0x0  }
0x14: {  	s2 =	sld [smem:$0x3F99];
	s0 =	simm.s32 @p1 $0x1  }
0x15: {  	[smem:$0x3FB6] =	sst s0;
	s0 =	simm.s32 @!p2 $0x0  }
0x16: {  	s3 =	sld [smem:$0x3FDB];
	s0 =	simm.s32 @p2 $0x1  }
0x17: {  	s4 =	simm.s32 $0x1BF5;
	[smem:$0x3FB8] =	sst s0  }
0x18: {  	s0 =	sld [smem:$0x3F9B];
	_ =	swait.ge [sflag:s4], $0x0  }
0x19: {  	s7 =	sld [smem:$0x3F9C]  }
0x1a: {  	s8 =	sadd.s32 $0xFFFFE003, lr  }
0x1b: {  	s9 =	sadd.s32 $0xFFFFFEF7, lr;
	s5 =	simm.s32 $0xFFFFFFFF;
	p2 =	slt.u32 s8, $0xFFFFF086  }
0x1c: {  	p1 =	slt.u32 s9, $0xF7A;
	s5 =	simm.s32 @!p2 $0x0  }
0x1d: {  	s5 =	simm.s32 @p1 $0x1;
	p0 =	seq.s32 s7, s2  }
0x1e: {  	s7 =	smul.u32 @!p0 $0xF7A, s2;
	p2 =	seq.s32 @!p0 s5, $0x0  }
0x1f: {  	s9 =	smul.u32 $0xF7A, s1;
	s8 =	simm.s32 @!p0 $0x1BF5;
	p2 =	por !p2, p0  }
0x20: {  	[sflag:s8] =	ssyncset.s32 @!p0 $0xFFFFF086;
	s6 =	sadd.s32 @!p0 s3, s7;
	s7 =	simm.s32 @!p0 $0x108  }
0x21: {  	s3 =	sadd.s32 s3, s9;
	s6 =	sadd.s32 @!p0 $0x88, s6;
	s7 =	simm.s32 @p2 $0x1082  }
0x22: {  	[simem:s7], [sflag:s8] =	dma.local @!p0 [hbm:s6], $0xF7A  }
0x23: {  	s9 =	sor.u32 $0xD0000000, s2;
	s6 =	simm.s32 $0x108;
	_ =	swait.ge @!p0 [sflag:s8], $0x0  }
0x24: {  	s3 =	sadd.s32 $0x88, s3;
	s6 =	simm.s32 @!p1 $0x1082;
	[sflag:s4] =	ssyncset.s32 $0xFFFFF086  }
0x25: {  	[simem:s6], [sflag:s4] =	dma.local [hbm:s3], $0xF7A  }
0x26: {  	[smem:$0x3F9C] =	sst s1;
	(tag) =	ssettag s2;
	_ =	strace s9  }
0x27: {  	s1 =	sld [smem:$0x3FAC]  }
0x28: {  	s2 =	sld [smem:$0x3FAD]  }
0x29: {  	s4 =	sld [smem:$0x3FAF]  }
0x2a: {  	p0 =	seq.s32 s5, $0x0;
	s5 =	sld [smem:$0x3FB0]  }
0x2b: {  	s6 =	sld [smem:$0x3FB1]  }
0x2c: {  	s7 =	sld [smem:$0x3FB2]  }
0x2d: {  	s3 =	simm.s32 $0x108;
	s8 =	sld [smem:$0x3FB3]  }
0x2e: {  	s3 =	simm.s32 @!p0 $0x1082;
	s9 =	sld [smem:$0x3FB4]  }
0x2f: {  	lr =	sadd.s32 s0, s3;
	s0 =	sld [smem:$0x3FAB]  }
0x30: {  	s3 =	sld [smem:$0x3FAE]  }
0x31: {  	[smem:$0x3FB7] =	sst s10  }
0x32: {  	s10 =	sld [smem:$0x3FB5];
	_ =	sdelay $0x3  }
0x33: {  	p0 =	seq.s32 s10, $0x1;
	s10 =	sld [smem:$0x3FB7];
	_ =	sdelay $0x3  }
0x34: {  	[smem:$0x3FB7] =	sst s10  }
0x35: {  	s10 =	sld [smem:$0x3FB6];
	_ =	sdelay $0x3  }
0x36: {  	p1 =	seq.s32 s10, $0x1;
	s10 =	sld [smem:$0x3FB7];
	_ =	sdelay $0x3  }
0x37: {  	[smem:$0x3FB7] =	sst s10  }
0x38: {  	s10 =	sld [smem:$0x3FB8]  }
0x39: {  	_ = 	snop;
	(pc) =	sbr.ind lr, $3  }
0x3a: {  	_ = 	snop  }
0x3b: {  	_ = 	snop  }
0x3c: {  	p2 =	seq.s32 s10, $0x1;
	s10 =	sld [smem:$0x3FB7]  }
0x3d: {  	_ =	shalt  }
0x3e: {  	_ =	shalt  }
0x3f: {  	_ =	shalt  }
0x40: {  	_ =	shalt  }
0x41: {  	_ =	shalt  }
0x42: {  	_ =	shalt  }
0x43: {  	_ =	shalt  }
0x44: {  	_ =	shalt  }
0x45: {  	_ =	shalt  }
0x46: {  	_ =	shalt  }
0x47: {  	_ =	shalt  }
0x48: {  	_ =	shalt  }
0x49: {  	_ =	shalt  }
0x4a: {  	_ =	shalt  }
0x4b: {  	_ =	shalt  }
0x4c: {  	_ =	shalt  }
0x4d: {  	_ =	shalt  }
0x4e: {  	_ =	shalt  }
0x4f: {  	_ =	shalt  }
0x50: {  	_ =	shalt  }
0x51: {  	_ =	shalt  }
0x52: {  	_ =	shalt  }
0x53: {  	_ =	shalt  }
0x54: {  	_ =	shalt  }
0x55: {  	_ =	shalt  }
0x56: {  	_ =	shalt  }
0x57: {  	_ =	shalt  }
0x58: {  	_ =	shalt  }
0x59: {  	_ =	shalt  }
0x5a: {  	_ =	shalt  }
0x5b: {  	_ =	shalt  }
0x5c: {  	_ =	shalt  }
0x5d: {  	_ =	shalt  }
0x5e: {  	_ =	shalt  }
0x5f: {  	_ =	shalt  }
0x60: {  	_ =	shalt  }
0x61: {  	_ =	shalt  }
0x62: {  	_ =	shalt  }
0x63: {  	_ =	shalt  }
0x64: {  	_ =	shalt  }
0x65: {  	_ =	shalt  }
0x66: {  	_ =	shalt  }
0x67: {  	_ =	shalt  }
0x68: {  	_ =	shalt  }
0x69: {  	_ =	shalt  }
0x6a: {  	_ =	shalt  }
0x6b: {  	_ =	shalt  }
0x6c: {  	_ =	shalt  }
0x6d: {  	_ =	shalt  }
0x6e: {  	_ =	shalt  }
0x6f: {  	_ =	shalt  }
0x70: {  	_ =	shalt  }
0x71: {  	_ =	shalt  }
0x72: {  	_ =	shalt  }
0x73: {  	_ =	shalt  }
0x74: {  	_ =	shalt  }
0x75: {  	_ =	shalt  }
0x76: {  	_ =	shalt  }
0x77: {  	_ =	shalt  }
0x78: {  	_ =	shalt  }
0x79: {  	_ =	shalt  }
0x7a: {  	_ =	shalt  }
0x7b: {  	_ =	shalt  }
0x7c: {  	_ =	shalt  }
0x7d: {  	_ =	shalt  }
0x7e: {  	_ =	shalt  }
0x7f: {  	_ =	shalt  }
0x80: {  	_ =	shalt  }
0x81: {  	_ =	shalt  }
0x82: {  	_ =	shalt  }
0x83: {  	_ =	shalt  }
0x84: {  	_ =	shalt  }
0x85: {  	_ =	shalt  }
0x86: {  	_ =	shalt  }
0x87: {  	_ =	shalt  }
.Lfunc_end0:
.L_simem_size_0:
called_computation_lowered:
.L_overlay_start_0:
0x88: {  	s0 =	sld [smem:$0x3FD9]  }
0x89: {  	s1 =	sld [smem:$0x3FFE];
	_ =	sdelay $0x3  }
0x8a: {  	s0 =	sadd.s32 s1, s0  }
0x8b: {  	[smem:$0x3FC3] =	sst s0  }
0x8c: {  	_ = 	snop  }
0x8d: {  	(tm) =	ssettm $0x1  }
0x8e: {  	s15 =	sld [smem:$0x3FFB];
	_ =	sdelay $0x3  }
0x8f: {  	_ =	strace s15  }
0x90: {  	s0 =	sld [smem:$0x3FFC];
	_ =	sdelay $0x3  }
0x91: {  	_ =	strace s0  }
0x92: {  	s0 =	sld [smem:$0x3FFD];
	_ =	sdelay $0x3  }
0x93: {  	_ =	strace s0  }
0x94: {  	_ =	strace $0x8FFFFFFF  }
0x95: {  	s16 =	sld [smem:$0x3FDB];
	_ =	sdelay $0x1  }
0x96: {  	s17 =	simm.s32 $_scs_section_size  }
0x97: {  	s2 =	simm.s32 $_size__tile_overlayer_lowered;
	s3 =	simm.s32 $_tile_overlayer_lowered  }
0x98: {  	s20 =	simm.s32 $0x1BFF;
	s19 =	sshll.u32 s3, $0x1;
	s0 =	sadd.s32 s17, s16  }
0x99: {  	s4 =	simm.s32 $0x0;
	s18 =	sshll.u32 s2, $0x1;
	s2 =	sadd.s32 s19, s0  }
0x9a: {  	[timem:s4], [sflag:s20] =	dma.local [hbm:s2], s18  }
0x9b: {  	_ =	swait.ge [sflag:s20], s18  }
0x9c: {  	s1 =	ssub.s32 $0x0, s18;
	[sflag:s20] =	ssyncset.done $0x0  }
0x9d: {  	[sflag:s20] =	ssyncadd.s32 s1;
	_ =	sdelay $0x1  }
0x9e: {  	s21 =	simm.s32 $0x1B8B  }
0x9f: {  	_ =	swait.ge [sflag:s21], $0x1  }
0xa0: {  	[sflag:s21] =	ssyncset.done $0x0  }
0xa1: {  	s23 =	simm.s32 $0x1B8E;
	s22 =	sld [smem:$0x3FFE];
	[sflag:s21] =	ssyncadd.s32 $0xFFFFFFFF  }
0xa2: {  	s24 =	simm.s32 $execute0_lowered;
	[smem:$0x3FD2] =	sst s23  }
0xa3: {  	s2 =	sshll.u32 s24, $0x1;
	_ =	strace $0x80000046;
	[dreg:$0x1] =	wrdreg $0xFFFFFFFF  }
0xa4: {  	s25 =	simm.s32 $_size_execute0_lowered;
	s0 =	sadd.s32 s0, s2;
	[dreg:$0x0] =	wrdreg $0x0  }
0xa5: {  	s2 =	sshll.u32 s25, $0x1;
	[dreg:$0x2] =	wrdreg s0  }
0xa6: {  	[dreg:$0x3] =	wrdreg s2  }
0xa7: {  	[dreg:$0x4] =	wrdreg $0xC0  }
0xa8: {  	_ =	task [dreg:s4], $0x5FFFF  }
0xa9: {  	[dreg:$0x1] =	wrdreg $0xFFFFFFFF  }
0xaa: {  	[dreg:$0x0] =	wrdreg $0x60  }
0xab: {  	[dreg:$0x2] =	wrdreg s22  }
0xac: {  	[dreg:$0x3] =	wrdreg $0x9  }
0xad: {  	_ =	task.clear_ibuf [dreg:s4], $0x4FFFF;
	_ =	strace $0x90000046  }
0xae: {  	s26 =	simm.s32 $0x9;
	_ =	strace $0x80000048  }
0xaf: {  	_ =	swait.ge [sflag:s26], $0x1  }
0xb0: {  	[sflag:s26] =	ssyncadd.s32 $0xFFFFFFFF  }
0xb1: {  	_ =	strace $0x90000048  }
0xb2: {  	_ =	sfence  }
0xb3: {  	s28 =	sld [smem:$0x0];
	_ =	sdelay $0x1  }
0xb4: {  	s29 =	srdreg.scid  }
0xb5: {  	s30 =	sshll.u32 s29, $0xD;
	s31 =	sshrl.u32 s29, $0x2  }
0xb6: {  	s1 =	sand.u32 $0x1, s29;
	s2 =	sand.u32 $0x4000, s30;
	s0 =	sadd.s32 s31, s28  }
0xb7: {  	s1 =	sor.u32 s2, s1;
	s0 =	sshll.u32 s0, $0x11  }
0xb8: {  	s0 =	sor.u32 s0, s1  }
0xb9: {  	s0 =	sadd.s32 $0x8F2B, s0  }
0xba: {  	[sflag:s0] =	ssyncadd.remote.s32 $0x1  }
0xbb: {  	_ =	sfence.sel $0xFFFF  }
0xbc: {  	[dreg:$0x0] =	wrdreg $0xFFFFFFFF;
	(pc) =	sbr.abs _section_cstart, $3  }
0xbd: {  	[dreg:$0x1] =	wrdreg $0xFFFFFFFF  }
0xbe: {  	_ =	task.clear_ibuf [dreg:s4], $0x2FFFF;
	_ =	strace $0x9FFFFFFF  }
0xbf: {  	(tm) =	ssettm $0x7FFFFFFF  }
tec
execute0_lowered:
.L_overlay_start_1:
0x0: {  	(tag) =	ssettag $0x1  }
0x1: {  	s2 =	rddreg [dreg:$0x0]  }
0x2: {  	s0 =	rddreg [dreg:$0x1];
	_ =	strace $0x80000047;
	s3 =	stileid.u32  }
0x3: {  	s4 =	simm.s32 $0x3E;
	s1 =	sadd.s32 $0x800, s2;
	p0 =	sne.s32 s3, $0x0  }
0x4: {  	[sflag:s4] =	ssyncpa.u1 $0x0;
	s5 =	simm.s32 @!p0 $0x1C3E;
	s6 =	simm.s32 @!p0 $0x0  }
0x5: {  	[spmem:s6], [sflag:s5] =	dma.local @!p0 [hbm:s1], $0x10  }
0x6: {  	s5 =	simm.s32 @!p0 $0x3E  }
0x7: {  	_ =	swait.ge @!p0 [sflag:s5], $0x10  }
0x8: {  	[sflag:s5] =	ssyncset.done @!p0 $0x0  }
0x9: {  	[sflag:s5] =	ssyncadd.s32 @!p0 $0xFFFFFFF0  }
0xa: {  	s28 =	simm.s32 $0x1;
	s29 =	simm.s32 $0x2;
	[bflag:$0x0] =	sbarrier.arrive $0xFFFF  }
0xb: {  	s7 =	simm.s32 $0x208;
	s3 =	sshll.u32 s3, $0x6;
	[sflag:s4] =	ssyncpa.u1 $0x1  }
0xc: {  	s30 =	sadd.s32 $0x400, s2;
	s31 =	sadd.s32 s2, s3;
	[sflag:s28] =	ssyncpa.u1 $0x0  }
0xd: {  	s2 =	simm.s32 $0x0;
	(ifvalue) =	ssetifvalue $0x80;
	[sflag:s29] =	ssyncpa.u1 $0x0  }
0xe: {  	[tilespmem:s7], [sflag:$0x2] =	stream.linear.gather [hbm4b:s31+s2], $0x200, $0x38;
	[tilespmem:$0x808] =	vst v63  }
0xf: {  	s5 =	sadd.s32 s30, s3;
	s3 =	simm.s32 $0x608  }
0x10: {  	[tilespmem:s3], [sflag:$0x2] =	stream.linear.gather [hbm4b:s5+s2], $0x200, $0x38;
	[tilespmem:$0x808] =	vst v63  }
0x11: {  	_ =	swait.ge [sflag:s29], $0x400  }
0x12: {  	[sflag:s29] =	ssyncset.done $0x0  }
0x13: {  	[sflag:s29] =	ssyncadd.s32 $0xFFFFFC00  }
0x14: {  	v0 =	vld.msk [tilespmem:s7+$0x0 ss:$0x1], $0xffff;
	_ =	sdelay $0x4  }
0x15: {  	v0 =	vmin.u32 v0, $0x80;
	_ =	sdelay $0x3  }
0x16: {  	vm0 =	vmmov $0xffff;
	s4 =	simm.s32 $0x0;
	s5 =	simm.s32 $0x218  }
0x17: {  	[spmem:s2] =	stream.indirect_vreg.scatter.add.s32 [tilespmem:s3], [sflag:$0x1], $0x1, v0, vm0, $0x4038;
	[tilespmem:$0x808] =	vst v63  }
.LBB2_1:
0x18: {  	v0 =	vld.msk [tilespmem:s5+$0x0 ss:$0x1], $0xffff;
	s4 =	sadd.s32 $0x10, s4  }
0x19: {  	p1 =	slt.u32 s4, $0x1F0;
	_ =	sdelay $0x4  }
0x1a: {  	v0 =	vmin.u32 v0, $0x80  }
.Ltmp0:
0x1b: {  	(pc) =	sbr.rel @p1 .LBB2_1-.Ltmp0, $3  }
0x1c: {  	_ =	sdelay $0x1  }
0x1d: {  	s5 =	sadd.s32 $0x10, s5;
	s3 =	sadd.s32 $0x10, s3  }
0x1e: {  	[spmem:s2] =	stream.indirect_vreg.scatter.add.s32 [tilespmem:s3], [sflag:$0x1], $0x1, v0, vm0, $0x4038;
	[tilespmem:$0x808] =	vst v63  }
0x1f: {  	s2 =	simm.s32 $0x1  }
0x20: {  	_ =	swait.ge [sflag:s2], $0x200  }
0x21: {  	[sflag:s2] =	ssyncset.done $0x0  }
0x22: {  	[sflag:s2] =	ssyncadd.s32 $0xFFFFFE00  }
0x23: {  	_ =	sfence.sel $0x180000  }
0x24: {  	s3 =	simm.s32 $0x2;
	[bflag:$0x0] =	sbarrier.arrive $0xFFFF  }
0x25: {  	[sflag:s3] =	ssyncpa.u1 $0x1  }
0x26: {  	[sflag:s2] =	ssyncpa.u1 $0x1  }
0x27: {  	_ =	sfence.stream.spmem  }
0x28: {  	s31 =	simm.s32 $0x3D;
	[bflag:$0x0] =	sbarrier.arrive $0xFFFF  }
0x29: {  	s2 =	simm.s32 @p0 $0x3D;
	[sflag:s31] =	ssyncpa.u1 $0x0  }
0x2a: {  	[sflag:s2] =	ssyncpa.u1 @p0 $0x1  }
0x2b: {  	[bflag:$0x0] =	sbarrier.arrive @p0 $0xFFFF  }
0x2c: {  	_ =	strace @p0 $0x90000047  }
0x2d: {  	s3 =	simm.s32 @!p0 $0x1C3D;
	s2 =	simm.s32 @!p0 $0x0;
	[bflag:$0x2] =	sbarrier.arrive @p0 $0xFFFF  }
0x2e: {  	[hbm:s1], [sflag:s3] =	dma.local @!p0 [spmem:s2], $0x10  }
0x2f: {  	s1 =	simm.s32 @!p0 $0x3D  }
0x30: {  	_ =	swait.ge @!p0 [sflag:s1], $0x10  }
0x31: {  	[sflag:s1] =	ssyncset.done @!p0 $0x0  }
0x32: {  	[sflag:s1] =	ssyncadd.s32 @!p0 $0xFFFFFFF0  }
0x33: {  	[sflag:s1] =	ssyncpa.u1 @!p0 $0x1  }
0x34: {  	[bflag:$0x0] =	sbarrier.arrive @!p0 $0xFFFF  }
0x35: {  	_ =	strace @!p0 $0x90000047  }
0x36: {  	s0 =	sadd.s32 @!p0 $0x100000, s0;
	[bflag:$0x2] =	sbarrier.arrive @!p0 $0xFFFF  }
0x37: {  	[sflag:s0] =	ssyncadd.tile.s32 @!p0 $0x1;
	_ =	shalt  }
.Lfunc_end2:
_tile_overlayer_lowered:
.L_overlay_start_2:
0x38: {  	(tag) =	ssettag $0x2  }
0x39: {  	s0 =	rddreg [dreg:$0x0];
	s2 =	stileid.u32  }
0x3a: {  	s1 =	rddreg [dreg:$0x1];
	p0 =	sne.s32 s2, $0x0  }
0x3b: {  	s3 =	rddreg [dreg:$0x2];
	[bflag:$0x3] =	sbarrier.arrive $0xFFFF;
	s2 =	simm.s32 @!p0 $0x1C01  }
0x3c: {  	[timem:s3], [sflag:s2] =	dma.local @!p0 [hbm:s0], s1  }
0x3d: {  	s0 =	simm.s32 @!p0 $0x1  }
0x3e: {  	_ =	swait.ge @!p0 [sflag:s0], s1  }
0x3f: {  	s1 =	ssub.s32 @!p0 $0x0, s1;
	[sflag:s0] =	ssyncset.done @!p0 $0x0  }
0x40: {  	[sflag:s0] =	ssyncadd.s32 @!p0 s1  }
0x41: {  	[bflag:$0x3] =	sbarrier.arrive $0xFFFF  }
0x42: {  	_ =	shalt  }

</sc_bundles>
